<compile_context>
chip_gen: v7x
topology: tpu7x:2x2x1
jax: 0.10.2.dev20260603
libtpu: 0.0.44.dev20260713+nightly
codegen_flags: <defaults>
</compile_context>

<pallas_src>
import dataclasses
import functools

import jax
import jax.numpy as jnp
from jax import lax
from jax.experimental import pallas as pl
from jax.experimental.pallas import tpu as pltpu
from jax.experimental.pallas import tpu_sc as plsc

N = 2_000_000
TR = 16
TABLE_PAD = 10016

SC_G = 125
SC_R = 125
SC_L = 128

G0 = 5
G1 = 3125
LANES = 128

T_0 = 227.13

_SIN_COEFS = (
    6.283185306817079, -41.34170217065687, 81.60524536016547,
    -76.70576094875487, 42.05737003862947, -15.084554589617913,
    3.775957048794309, -0.6150593859199129,
)

def _sc_gather_plot(table_pad, plot_id):
    mesh = plsc.VectorSubcoreMesh(core_axis_name="c", subcore_axis_name="s")
    cp = pltpu.CompilerParams()
    if "needs_layout_passes" in pltpu.CompilerParams.__dataclass_fields__:
        cp = dataclasses.replace(cp, needs_layout_passes=False)

    @functools.partial(
        pl.kernel,
        out_type=jax.ShapeDtypeStruct((SC_G, SC_R, SC_L), jnp.float32),
        mesh=mesh,
        scratch_types=[pltpu.VMEM((TABLE_PAD,), jnp.float32)],
        compiler_params=cp,
    )
    def sc_kernel(table_hbm, pid_hbm, out_hbm, table_v):
        pltpu.sync_copy(table_hbm, table_v)

        def body(idx_v, out_v):
            two_iota = lax.iota(jnp.int32, 16) * 2
            zeros = lax.iota(jnp.int32, 16) * 0

            @plsc.parallel_loop(0, SC_R, unroll=2)
            def _(r):
                for c in range(0, SC_L, 32):
                    iv_a = idx_v[0, r, pl.ds(c, 16)]
                    iv_b = idx_v[0, r, pl.ds(c + 16, 16)]
                    va = plsc.load_gather(table_v, [iv_a])
                    vb = plsc.load_gather(table_v, [iv_b])
                    out_v[0, r, pl.ds(c, 16)] = va
                    out_v[0, r, pl.ds(c + 16, 16)] = vb

        pltpu.emit_pipeline(
            body,
            grid=(SC_G,),
            in_specs=[pl.BlockSpec((1, SC_R, SC_L), lambda i: (i, 0, 0))],
            out_specs=[pl.BlockSpec((1, SC_R, SC_L), lambda i: (i, 0, 0))],
            core_axis_name=("c", "s"),
            dimension_semantics=(pltpu.PARALLEL,),
        )(pid_hbm, out_hbm)

    return sc_kernel(table_pad, plot_id)


def _tc_body(tr_ref, day_ref, temp_ref, m_ref, ag_ref,
             a_ref, b_ref, ea_ref, amp_ref, pk_ref, o_ref):
    idx = tr_ref[0].astype(jnp.int32) - 1

    def gather_tr(ref):
        tbl = jnp.broadcast_to(ref[...], (G1, LANES))
        return jnp.take_along_axis(tbl, idx, axis=1, mode="promise_in_bounds")

    a_g = gather_tr(a_ref)
    b_g = gather_tr(b_ref)
    ea_g = gather_tr(ea_ref)
    amp_g = gather_tr(amp_ref)
    pk_g = gather_tr(pk_ref)

    m = m_ref[0].astype(jnp.float32)
    temp = temp_ref[0].astype(jnp.float32)
    day = day_ref[0].astype(jnp.float32)
    a_big = ag_ref[0].astype(jnp.float32)

    xi_moist = a_g * m - b_g * (m * m)
    xi_temp = a_big * jnp.exp(-ea_g / (temp + 273.15 - T_0))
    t = (day + (pk_g - 1.0)) * (1.0 / 365.0)
    f = t - jnp.floor(t + 0.5)
    f2 = f * f
    p = _SIN_COEFS[-1]
    for c in _SIN_COEFS[-2::-1]:
        p = p * f2 + c
    sine_wave = amp_g * (f * p)
    o_ref[0] = sine_wave + xi_temp * xi_moist


def _tc_main(tr3, day3, temp3, m3, ag3, a_p, b_p, ea_p, amp_p, pk_p):
    blk3 = pl.BlockSpec((1, G1, LANES), lambda i: (i, 0, 0))
    blk_t = pl.BlockSpec((1, LANES), lambda i: (0, 0))
    return pl.pallas_call(
        _tc_body,
        grid=(G0,),
        in_specs=[blk3] * 5 + [blk_t] * 5,
        out_specs=blk3,
        out_shape=jax.ShapeDtypeStruct((G0, G1, LANES), jnp.float32),
    )(tr3, day3, temp3, m3, ag3, a_p, b_p, ea_p, amp_p, pk_p)


def kernel(treatment, plot_id, day_year, temp, resp, M,
           A, Ea, a, b, amplitude, peak_day):
    del resp
    table_pad = jnp.concatenate(
        [A[:1], A, jnp.zeros((TABLE_PAD - 10001,), jnp.float32)]
    )
    ag = _sc_gather_plot(table_pad, plot_id.reshape(SC_G, SC_R, SC_L))

    shape3 = (G0, G1, LANES)
    pad128 = lambda v: jnp.pad(v, (0, LANES - TR)).reshape(1, LANES)
    out3 = _tc_main(
        treatment.reshape(shape3),
        day_year.reshape(shape3),
        temp.reshape(shape3),
        M.reshape(shape3),
        ag.reshape(shape3),
        pad128(a),
        pad128(b),
        pad128(Ea),
        pad128(amplitude),
        pad128(peak_day),
    )
    return out3.reshape(N)

# --- scband reference (transcript-rebuilt; emitter-appended) ---
"""Pipeline reference for scband-respiration-model-40175124086784 (READ-ONLY COPY).

The authoritative reference and input builder live on the scoring server;
editing this copy changes nothing except your own understanding.
"""

import jax, jax.numpy as jnp
import numpy as np

N = 2000000
TR = 16
PL = 10000

def setup_inputs(seed: int = 0):
    key = jax.random.key(seed)
    ks = jax.random.split(key, 12)
    treatment = jax.random.randint(ks[0], (N,), 1, TR + 1, dtype=jnp.int32)
    plot_id = jax.random.randint(ks[1], (N,), 1, PL + 1, dtype=jnp.int32)
    day_year = jax.random.uniform(ks[2], (N,), dtype=jnp.float32, minval=1.0, maxval=365.0)
    temp = 10.0 + 5.0 * jax.random.normal(ks[3], (N,), dtype=jnp.float32)
    resp = jax.random.normal(ks[4], (N,), dtype=jnp.float32)
    M = jax.random.uniform(ks[5], (N,), dtype=jnp.float32)
    A = 400.0 + 100.0 * jax.random.normal(ks[6], (PL,), dtype=jnp.float32)
    Ea = 398.5 + 50.0 * jax.random.normal(ks[7], (TR,), dtype=jnp.float32)
    a = 3.11 + 0.25 * jax.random.normal(ks[8], (TR,), dtype=jnp.float32)
    b = 2.42 + 0.25 * jax.random.normal(ks[9], (TR,), dtype=jnp.float32)
    amplitude = 0.25 * jax.random.normal(ks[10], (TR,), dtype=jnp.float32)
    peak_day = 196.0 + 50.0 * jax.random.normal(ks[11], (TR,), dtype=jnp.float32)
    return {"treatment": treatment, "plot_id": plot_id, "day_year": day_year, "temp": temp, "resp": resp, "M": M, "A": A, "Ea": Ea, "a": a, "b": b, "amplitude": amplitude, "peak_day": peak_day}

def reference(treatment, plot_id, day_year, temp, resp, M, A, Ea, a, b, amplitude, peak_day):
    T_0 = 227.13
    tr_idx = treatment - 1
    pl_idx = plot_id - 1
    a_g = jnp.take(a, tr_idx)
    b_g = jnp.take(b, tr_idx)
    Ea_g = jnp.take(Ea, tr_idx)
    amp_g = jnp.take(amplitude, tr_idx)
    pk_g = jnp.take(peak_day, tr_idx)
    A_g = jnp.take(A, pl_idx)
    xi_moist = a_g * M - b_g * M ** 2
    xi_temp = A_g * jnp.exp(-Ea_g / (temp + 273.15 - T_0))
    sine_wave = amp_g * jnp.cos(2 * jnp.pi / 365 * day_year + 2 * jnp.pi / 365 * (pk_g - 1) - jnp.pi / 2)
    model_resp = sine_wave + xi_temp * xi_moist
    return model_resp

if __name__ == "__main__":
    import jax
    _d = setup_inputs()
    print(jax.jit(kernel)(*tuple(_d.values())))

</pallas_src>

<mosaic_0001>
#map = affine_map<(d0, d1) -> (0)>
#map1 = affine_map<(d0, d1) -> (0, 0, 0)>
module attributes {stable_mosaic.version = 14 : i64} {
  func.func @sc_kernel(%arg0: i32, %arg1: i32, %arg2: memref<10016xf32, #tpu.memory_space<hbm>>, %arg3: memref<125x125x128xi32, #tpu.memory_space<hbm>>, %arg4: memref<125x125x128xf32, #tpu.memory_space<hbm>>, %arg5: memref<10016xf32, #tpu.memory_space<vmem>>) attributes {dimension_semantics = [#tpu.dimension_semantics<core_parallel>, #tpu.dimension_semantics<subcore_parallel>], iteration_bounds = array<i64: 2, 16>, scalar_prefetch = 0 : i64, scratch_operands = 1 : i64, tpu.core_type = #tpu.core_type<sc_vector_subcore>, window_params = [{transform_indices = #map}, {transform_indices = #map1}, {transform_indices = #map1}]} {
    "tpu.region"() ({
      %run_scoped3A = tpu.sem_alloc : memref<!tpu.dma_semaphore, #tpu.memory_space<semaphore_mem>>
      tpu.enqueue_dma source(%arg2 : memref<10016xf32, #tpu.memory_space<hbm>>) target(%arg5 : memref<10016xf32, #tpu.memory_space<vmem>>) target_semaphore(%run_scoped3A : memref<!tpu.dma_semaphore, #tpu.memory_space<semaphore_mem>>)
      tpu.wait_dma2 semaphore(%run_scoped3A : memref<!tpu.dma_semaphore, #tpu.memory_space<semaphore_mem>>) src(%arg2 : memref<10016xf32, #tpu.memory_space<hbm>>) dst(%arg5 : memref<10016xf32, #tpu.memory_space<vmem>>)
      tpu.yield
    }) : () -> ()
    %mul3A = arith.constant 1 : i32
    %mul3A_0 = arith.muli %arg1, %mul3A : i32
    %add3A = arith.constant 0 : i32
    %add3A_1 = arith.addi %add3A, %mul3A_0 : i32
    %mul3A_2 = arith.constant 16 : i32
    %mul3A_3 = arith.muli %arg0, %mul3A_2 : i32
    %add3A_4 = arith.addi %add3A_1, %mul3A_3 : i32
    %lt3A = arith.constant 29 : i32
    %lt3A_5 = arith.cmpi slt, %add3A_4, %lt3A : i32
    %jit3A = arith.constant 4 : i32
    %jit3A_6 = arith.constant 3 : i32
    %select_n3A = arith.select %lt3A_5, %jit3A, %jit3A_6 : i32
    %lt3A_7 = arith.constant 29 : i32
    %lt3A_8 = arith.cmpi slt, %add3A_4, %lt3A_7 : i32
    %mul3A_9 = arith.muli %add3A_4, %select_n3A : i32
    %mul3A_10 = arith.constant 3 : i32
    %mul3A_11 = arith.muli %add3A_4, %mul3A_10 : i32
    %add3A_12 = arith.constant 29 : i32
    %add3A_13 = arith.addi %mul3A_11, %add3A_12 : i32
    %select_n3A_14 = arith.select %lt3A_8, %mul3A_9, %add3A_13 : i32
    %mul3A_15 = arith.constant 1 : i32
    %mul3A_16 = arith.muli %mul3A_15, %select_n3A : i32
    "tpu.region"() ({
      %run_scoped3A = memref.alloca() : memref<2x1x125x128xi32, #tpu.memory_space<vmem>>
      %run_scoped3A_17 = tpu.sem_alloc : memref<2x!tpu.dma_semaphore, #tpu.memory_space<semaphore_mem>>
      %run_scoped3A_18 = memref.alloca() : memref<2x1x125x128xf32, #tpu.memory_space<vmem>>
      %run_scoped3A_19 = tpu.sem_alloc : memref<2x!tpu.dma_semaphore, #tpu.memory_space<semaphore_mem>>
      %gt3A = arith.constant 0 : i32
      %gt3A_20 = arith.cmpi sgt, %mul3A_16, %gt3A : i32
      %convert_element_type3A = arith.extui %gt3A_20 : i1 to i32
      %cond3A = arith.constant 0 : i32
      %cond3A_21 = arith.cmpi ne, %convert_element_type3A, %cond3A : i32
      scf.if %cond3A_21 {
        %mul3A_22 = arith.constant 1 : i32
        %mul3A_23 = arith.muli %mul3A_22, %select_n3A : i32
        %sub3A = arith.constant 1 : i32
        %sub3A_24 = arith.subi %mul3A_23, %sub3A : i32
        %eq3A = arith.constant 0 : i32
        %eq3A_25 = arith.cmpi eq, %sub3A_24, %eq3A : i32
        %add3A_26 = arith.constant 0 : i32
        %add3A_27 = arith.addi %add3A_26, %select_n3A_14 : i32
        %select_n3A_28 = arith.constant true
        %select_n3A_29 = arith.constant 0 : i32
        %select_n3A_30 = arith.constant -1 : i32
        %select_n3A_31 = arith.select %select_n3A_28, %select_n3A_30, %select_n3A_29 : i32
        %eq3A_32 = arith.constant -1 : i32
        %eq3A_33 = arith.cmpi eq, %select_n3A_31, %eq3A_32 : i32
        %sub3A_34 = arith.constant 1 : i32
        %sub3A_35 = arith.subi %select_n3A, %sub3A_34 : i32
        %select_n3A_36 = arith.select %eq3A_33, %sub3A_35, %select_n3A_31 : i32
        %add3A_37 = arith.addi %select_n3A_36, %select_n3A_14 : i32
        %select_n3A_38 = arith.constant true
        %select_n3A_39 = arith.constant 0 : i32
        %select_n3A_40 = arith.constant 1 : i32
        %select_n3A_41 = arith.select %select_n3A_38, %select_n3A_40, %select_n3A_39 : i32
        %eq3A_42 = arith.cmpi eq, %select_n3A_41, %select_n3A : i32
        %select_n3A_43 = arith.constant 0 : i32
        %select_n3A_44 = arith.select %eq3A_42, %select_n3A_43, %select_n3A_41 : i32
        %add3A_45 = arith.addi %select_n3A_44, %select_n3A_14 : i32
        %add3A_46 = arith.constant 1 : i32
        %add3A_47 = arith.addi %select_n3A_44, %add3A_46 : i32
        %select_n3A_48 = arith.constant true
        %select_n3A_49 = arith.select %select_n3A_48, %add3A_47, %select_n3A_44 : i32
        %eq3A_50 = arith.cmpi eq, %select_n3A_49, %select_n3A : i32
        %select_n3A_51 = arith.constant 0 : i32
        %select_n3A_52 = arith.select %eq3A_50, %select_n3A_51, %select_n3A_49 : i32
        %add3A_53 = arith.addi %select_n3A_52, %select_n3A_14 : i32
        "tpu.trace_start"() <{level = 10 : i32, message = "ep_initialize_0"}> : () -> ()
        %rem3A = arith.constant 0 : i32
        %rem3A_54 = arith.constant 2 : i32
        %rem3A_55 = arith.remui %rem3A, %rem3A_54 : i32
        %mul3A_56 = arith.constant 1 : i32
        %mul3A_57 = arith.muli %mul3A_56, %add3A_27 : i32
        %dma_start3A = arith.constant 0 : i32
        %dma_start3A_58 = arith.constant 0 : i32
        %dma_start3A_59 = arith.constant 0 : i32
        %dma_start3A_60 = tpu.memref_slice %run_scoped3A[%rem3A_55, %dma_start3A, %dma_start3A_58, %dma_start3A_59] : memref<2x1x125x128xi32, #tpu.memory_space<vmem>> -> memref<1x1x125x128xi32, #tpu.memory_space<vmem>>
        %dma_start3A_61 = tpu.memref_squeeze %dma_start3A_60 : memref<1x1x125x128xi32, #tpu.memory_space<vmem>> -> memref<1x125x128xi32, #tpu.memory_space<vmem>>
        %dma_start3A_62 = arith.constant 0 : i32
        %dma_start3A_63 = arith.constant 0 : i32
        %dma_start3A_64 = tpu.memref_slice %arg3[%mul3A_57, %dma_start3A_62, %dma_start3A_63] : memref<125x125x128xi32, #tpu.memory_space<hbm>> -> memref<1x125x128xi32, #tpu.memory_space<hbm>>
        %dma_start3A_65 = tpu.memref_slice %run_scoped3A_17[%rem3A_55] : memref<2x!tpu.dma_semaphore, #tpu.memory_space<semaphore_mem>> -> memref<1x!tpu.dma_semaphore, #tpu.memory_space<semaphore_mem>>
        %dma_start3A_66 = tpu.memref_squeeze %dma_start3A_65 : memref<1x!tpu.dma_semaphore, #tpu.memory_space<semaphore_mem>> -> memref<!tpu.dma_semaphore, #tpu.memory_space<semaphore_mem>>
        %dma_start3A_67 = arith.constant 0 : i32
        %dma_start3A_68 = arith.constant 0 : i32
        %dma_start3A_69 = arith.constant 0 : i32
        %dma_start3A_70 = tpu.memref_slice %run_scoped3A[%rem3A_55, %dma_start3A_67, %dma_start3A_68, %dma_start3A_69] : memref<2x1x125x128xi32, #tpu.memory_space<vmem>> -> memref<1x1x125x128xi32, #tpu.memory_space<vmem>>
        %dma_start3A_71 = tpu.memref_squeeze %dma_start3A_70 : memref<1x1x125x128xi32, #tpu.memory_space<vmem>> -> memref<1x125x128xi32, #tpu.memory_space<vmem>>
        %dma_start3A_72 = arith.constant 0 : i32
        %dma_start3A_73 = arith.constant 0 : i32
        %dma_start3A_74 = tpu.memref_slice %arg3[%mul3A_57, %dma_start3A_72, %dma_start3A_73] : memref<125x125x128xi32, #tpu.memory_space<hbm>> -> memref<1x125x128xi32, #tpu.memory_space<hbm>>
        tpu.enqueue_dma source(%dma_start3A_74 : memref<1x125x128xi32, #tpu.memory_space<hbm>>) target(%dma_start3A_71 : memref<1x125x128xi32, #tpu.memory_space<vmem>>) target_semaphore(%dma_start3A_66 : memref<!tpu.dma_semaphore, #tpu.memory_space<semaphore_mem>>)
        %add3A_75 = arith.constant 0 : i32
        %add3A_76 = arith.constant 1 : i32
        %add3A_77 = arith.addi %add3A_75, %add3A_76 : i32
        %select_n3A_78 = arith.constant true
        %select_n3A_79 = arith.constant 0 : i32
        %select_n3A_80 = arith.select %select_n3A_78, %add3A_77, %select_n3A_79 : i32
        %while3A = arith.constant 0 : i32
        %while3A_81 = arith.constant 0 : i32
        %while3A_82 = arith.constant 0 : i32
        %while3A_83 = arith.constant 0 : i32
        %while3A_84 = arith.constant 0 : i32
        "tpu.trace_stop"() : () -> ()
        %while3A_85 = arith.subi %mul3A_16, %while3A : i32
        %while3A_86 = arith.addi %while3A, %while3A_85 : i32
        %while3A_87 = arith.constant 1 : i32
        %while3A_88 = arith.divsi %while3A_85, %while3A_87 : i32
        %while3A_89 = arith.muli %while3A_88, %while3A_87 : i32
        %while3A_90 = arith.addi %while3A, %while3A_89 : i32
        %while3A_91 = arith.constant 1 : i32
        %while3A_92:5 = scf.for %while3A_146 = %while3A to %while3A_90 step %while3A_91 iter_args(%while3A_147 = %select_n3A_80, %while3A_148 = %while3A_81, %while3A_149 = %while3A_82, %while3A_150 = %while3A_83, %while3A_151 = %while3A_84) -> (i32, i32, i32, i32, i32)  : i32 {
          %mul3A_152 = arith.constant 1 : i32
          %mul3A_153 = arith.muli %mul3A_152, %select_n3A : i32
          %eq3A_154 = arith.constant 0 : i32
          %eq3A_155 = arith.cmpi eq, %while3A_146, %eq3A_154 : i32
          %sub3A_156 = arith.constant 1 : i32
          %sub3A_157 = arith.subi %mul3A_153, %sub3A_156 : i32
          %eq3A_158 = arith.cmpi eq, %while3A_146, %sub3A_157 : i32
          %add3A_159 = arith.addi %while3A_151, %select_n3A_14 : i32
          %sub3A_160 = arith.constant 1 : i32
          %sub3A_161 = arith.subi %while3A_151, %sub3A_160 : i32
          %select_n3A_162 = arith.constant true
          %select_n3A_163 = arith.select %select_n3A_162, %sub3A_161, %while3A_151 : i32
          %eq3A_164 = arith.constant -1 : i32
          %eq3A_165 = arith.cmpi eq, %select_n3A_163, %eq3A_164 : i32
          %sub3A_166 = arith.constant 1 : i32
          %sub3A_167 = arith.subi %select_n3A, %sub3A_166 : i32
          %select_n3A_168 = arith.select %eq3A_165, %sub3A_167, %select_n3A_163 : i32
          %add3A_169 = arith.addi %select_n3A_168, %select_n3A_14 : i32
          %add3A_170 = arith.constant 1 : i32
          %add3A_171 = arith.addi %while3A_151, %add3A_170 : i32
          %select_n3A_172 = arith.constant true
          %select_n3A_173 = arith.select %select_n3A_172, %add3A_171, %while3A_151 : i32
          %eq3A_174 = arith.cmpi eq, %select_n3A_173, %select_n3A : i32
          %select_n3A_175 = arith.constant 0 : i32
          %select_n3A_176 = arith.select %eq3A_174, %select_n3A_175, %select_n3A_173 : i32
          %add3A_177 = arith.addi %select_n3A_176, %select_n3A_14 : i32
          %add3A_178 = arith.constant 1 : i32
          %add3A_179 = arith.addi %select_n3A_176, %add3A_178 : i32
          %select_n3A_180 = arith.constant true
          %select_n3A_181 = arith.select %select_n3A_180, %add3A_179, %select_n3A_176 : i32
          %eq3A_182 = arith.cmpi eq, %select_n3A_181, %select_n3A : i32
          %select_n3A_183 = arith.constant 0 : i32
          %select_n3A_184 = arith.select %eq3A_182, %select_n3A_183, %select_n3A_181 : i32
          %add3A_185 = arith.addi %select_n3A_184, %select_n3A_14 : i32
          %ne3A = arith.cmpi ne, %add3A_159, %add3A_177 : i32
          %or3A = arith.constant false
          %or3A_186 = arith.ori %or3A, %ne3A : i1
          %or3A_187 = arith.constant false
          %or3A_188 = arith.ori %or3A_186, %or3A_187 : i1
          %or3A_189 = arith.constant false
          %or3A_190 = arith.ori %or3A_188, %or3A_189 : i1
          %sub3A_191 = arith.constant 2 : i32
          %sub3A_192 = arith.subi %mul3A_153, %sub3A_191 : i32
          %add3A_193 = arith.constant 1 : i32
          %add3A_194 = arith.addi %sub3A_192, %add3A_193 : i32
          %ge3A = arith.cmpi sge, %while3A_146, %add3A_194 : i32
          %not3A = arith.constant true
          %not3A_195 = arith.xori %ge3A, %not3A : i1
          %and3A = arith.andi %or3A_190, %not3A_195 : i1
          %convert_element_type3A_196 = arith.extui %and3A : i1 to i32
          %cond3A_197 = arith.constant 0 : i32
          %cond3A_198 = arith.cmpi ne, %convert_element_type3A_196, %cond3A_197 : i32
          scf.if %cond3A_198 {
            "tpu.trace_start"() <{level = 10 : i32, message = "ep_copy_in"}> : () -> ()
            %rem3A_334 = arith.constant 2 : i32
            %rem3A_335 = arith.remui %while3A_147, %rem3A_334 : i32
            %mul3A_336 = arith.constant 1 : i32
            %mul3A_337 = arith.muli %mul3A_336, %add3A_177 : i32
            %dma_start3A_338 = arith.constant 0 : i32
            %dma_start3A_339 = arith.constant 0 : i32
            %dma_start3A_340 = arith.constant 0 : i32
            %dma_start3A_341 = tpu.memref_slice %run_scoped3A[%rem3A_335, %dma_start3A_338, %dma_start3A_339, %dma_start3A_340] : memref<2x1x125x128xi32, #tpu.memory_space<vmem>> -> memref<1x1x125x128xi32, #tpu.memory_space<vmem>>
            %dma_start3A_342 = tpu.memref_squeeze %dma_start3A_341 : memref<1x1x125x128xi32, #tpu.memory_space<vmem>> -> memref<1x125x128xi32, #tpu.memory_space<vmem>>
            %dma_start3A_343 = arith.constant 0 : i32
            %dma_start3A_344 = arith.constant 0 : i32
            %dma_start3A_345 = tpu.memref_slice %arg3[%mul3A_337, %dma_start3A_343, %dma_start3A_344] : memref<125x125x128xi32, #tpu.memory_space<hbm>> -> memref<1x125x128xi32, #tpu.memory_space<hbm>>
            %dma_start3A_346 = tpu.memref_slice %run_scoped3A_17[%rem3A_335] : memref<2x!tpu.dma_semaphore, #tpu.memory_space<semaphore_mem>> -> memref<1x!tpu.dma_semaphore, #tpu.memory_space<semaphore_mem>>
            %dma_start3A_347 = tpu.memref_squeeze %dma_start3A_346 : memref<1x!tpu.dma_semaphore, #tpu.memory_space<semaphore_mem>> -> memref<!tpu.dma_semaphore, #tpu.memory_space<semaphore_mem>>
            %dma_start3A_348 = arith.constant 0 : i32
            %dma_start3A_349 = arith.constant 0 : i32
            %dma_start3A_350 = arith.constant 0 : i32
            %dma_start3A_351 = tpu.memref_slice %run_scoped3A[%rem3A_335, %dma_start3A_348, %dma_start3A_349, %dma_start3A_350] : memref<2x1x125x128xi32, #tpu.memory_space<vmem>> -> memref<1x1x125x128xi32, #tpu.memory_space<vmem>>
            %dma_start3A_352 = tpu.memref_squeeze %dma_start3A_351 : memref<1x1x125x128xi32, #tpu.memory_space<vmem>> -> memref<1x125x128xi32, #tpu.memory_space<vmem>>
            %dma_start3A_353 = arith.constant 0 : i32
            %dma_start3A_354 = arith.constant 0 : i32
            %dma_start3A_355 = tpu.memref_slice %arg3[%mul3A_337, %dma_start3A_353, %dma_start3A_354] : memref<125x125x128xi32, #tpu.memory_space<hbm>> -> memref<1x125x128xi32, #tpu.memory_space<hbm>>
            tpu.enqueue_dma source(%dma_start3A_355 : memref<1x125x128xi32, #tpu.memory_space<hbm>>) target(%dma_start3A_352 : memref<1x125x128xi32, #tpu.memory_space<vmem>>) target_semaphore(%dma_start3A_347 : memref<!tpu.dma_semaphore, #tpu.memory_space<semaphore_mem>>)
            "tpu.trace_stop"() : () -> ()
          } else {
          }
          %and3A_199 = arith.constant true
          %and3A_200 = arith.andi %and3A, %and3A_199 : i1
          %add3A_201 = arith.constant 1 : i32
          %add3A_202 = arith.addi %while3A_147, %add3A_201 : i32
          %select_n3A_203 = arith.select %and3A_200, %add3A_202, %while3A_147 : i32
          %ne3A_204 = arith.cmpi ne, %add3A_159, %add3A_177 : i32
          %or3A_205 = arith.constant false
          %or3A_206 = arith.ori %or3A_205, %ne3A_204 : i1
          %or3A_207 = arith.constant false
          %or3A_208 = arith.ori %or3A_206, %or3A_207 : i1
          %or3A_209 = arith.constant false
          %or3A_210 = arith.ori %or3A_208, %or3A_209 : i1
          %sub3A_211 = arith.constant 2 : i32
          %sub3A_212 = arith.subi %mul3A_153, %sub3A_211 : i32
          %add3A_213 = arith.constant 1 : i32
          %add3A_214 = arith.addi %sub3A_212, %add3A_213 : i32
          %ge3A_215 = arith.cmpi sge, %while3A_146, %add3A_214 : i32
          %not3A_216 = arith.constant true
          %not3A_217 = arith.xori %ge3A_215, %not3A_216 : i1
          %and3A_218 = arith.andi %or3A_210, %not3A_217 : i1
          %ne3A_219 = arith.cmpi ne, %add3A_159, %add3A_169 : i32
          %or3A_220 = arith.constant false
          %or3A_221 = arith.ori %or3A_220, %ne3A_219 : i1
          %or3A_222 = arith.constant false
          %or3A_223 = arith.ori %or3A_221, %or3A_222 : i1
          %or3A_224 = arith.constant false
          %or3A_225 = arith.ori %or3A_223, %or3A_224 : i1
          %or3A_226 = arith.ori %or3A_225, %eq3A_155 : i1
          %convert_element_type3A_227 = arith.extui %or3A_226 : i1 to i32
          %cond3A_228 = arith.constant 0 : i32
          %cond3A_229 = arith.cmpi ne, %convert_element_type3A_227, %cond3A_228 : i32
          scf.if %cond3A_229 {
            "tpu.trace_start"() <{level = 10 : i32, message = "ep_wait_in"}> : () -> ()
            %mul3A_334 = arith.constant 1 : i32
            %mul3A_335 = arith.muli %mul3A_334, %add3A_159 : i32
            %rem3A_336 = arith.constant 2 : i32
            %rem3A_337 = arith.remui %while3A_148, %rem3A_336 : i32
            %dma_wait3A = arith.constant 0 : i32
            %dma_wait3A_338 = arith.constant 0 : i32
            %dma_wait3A_339 = arith.constant 0 : i32
            %dma_wait3A_340 = tpu.memref_slice %run_scoped3A[%rem3A_337, %dma_wait3A, %dma_wait3A_338, %dma_wait3A_339] : memref<2x1x125x128xi32, #tpu.memory_space<vmem>> -> memref<1x1x125x128xi32, #tpu.memory_space<vmem>>
            %dma_wait3A_341 = tpu.memref_squeeze %dma_wait3A_340 : memref<1x1x125x128xi32, #tpu.memory_space<vmem>> -> memref<1x125x128xi32, #tpu.memory_space<vmem>>
            %dma_wait3A_342 = arith.constant 0 : i32
            %dma_wait3A_343 = arith.constant 0 : i32
            %dma_wait3A_344 = tpu.memref_slice %arg3[%mul3A_335, %dma_wait3A_342, %dma_wait3A_343] : memref<125x125x128xi32, #tpu.memory_space<hbm>> -> memref<1x125x128xi32, #tpu.memory_space<hbm>>
            %dma_wait3A_345 = tpu.memref_slice %run_scoped3A_17[%rem3A_337] : memref<2x!tpu.dma_semaphore, #tpu.memory_space<semaphore_mem>> -> memref<1x!tpu.dma_semaphore, #tpu.memory_space<semaphore_mem>>
            %dma_wait3A_346 = tpu.memref_squeeze %dma_wait3A_345 : memref<1x!tpu.dma_semaphore, #tpu.memory_space<semaphore_mem>> -> memref<!tpu.dma_semaphore, #tpu.memory_space<semaphore_mem>>
            %dma_wait3A_347 = arith.constant 0 : i32
            %dma_wait3A_348 = arith.constant 0 : i32
            %dma_wait3A_349 = arith.constant 0 : i32
            %dma_wait3A_350 = tpu.memref_slice %run_scoped3A[%rem3A_337, %dma_wait3A_347, %dma_wait3A_348, %dma_wait3A_349] : memref<2x1x125x128xi32, #tpu.memory_space<vmem>> -> memref<1x1x125x128xi32, #tpu.memory_space<vmem>>
            %dma_wait3A_351 = tpu.memref_squeeze %dma_wait3A_350 : memref<1x1x125x128xi32, #tpu.memory_space<vmem>> -> memref<1x125x128xi32, #tpu.memory_space<vmem>>
            %dma_wait3A_352 = arith.constant 0 : i32
            %dma_wait3A_353 = arith.constant 0 : i32
            %dma_wait3A_354 = tpu.memref_slice %arg3[%mul3A_335, %dma_wait3A_352, %dma_wait3A_353] : memref<125x125x128xi32, #tpu.memory_space<hbm>> -> memref<1x125x128xi32, #tpu.memory_space<hbm>>
            tpu.wait_dma2 semaphore(%dma_wait3A_346 : memref<!tpu.dma_semaphore, #tpu.memory_space<semaphore_mem>>) src(%dma_wait3A_354 : memref<1x125x128xi32, #tpu.memory_space<hbm>>) dst(%dma_wait3A_351 : memref<1x125x128xi32, #tpu.memory_space<vmem>>)
            "tpu.trace_stop"() : () -> ()
          } else {
          }
          %ne3A_230 = arith.cmpi ne, %add3A_159, %add3A_169 : i32
          %or3A_231 = arith.constant false
          %or3A_232 = arith.ori %or3A_231, %ne3A_230 : i1
          %or3A_233 = arith.constant false
          %or3A_234 = arith.ori %or3A_232, %or3A_233 : i1
          %or3A_235 = arith.constant false
          %or3A_236 = arith.ori %or3A_234, %or3A_235 : i1
          %or3A_237 = arith.ori %or3A_236, %eq3A_155 : i1
          %convert_element_type3A_238 = arith.extui %or3A_237 : i1 to i32
          %cond3A_239 = arith.constant 0 : i32
          %cond3A_240 = arith.cmpi ne, %convert_element_type3A_238, %cond3A_239 : i32
          scf.if %cond3A_240 {
          } else {
          }
          %rem3A_241 = arith.constant 2 : i32
          %rem3A_242 = arith.remui %while3A_148, %rem3A_241 : i32
          %rem3A_243 = arith.constant 2 : i32
          %rem3A_244 = arith.remui %while3A_149, %rem3A_243 : i32
          "tpu.trace_start"() <{level = 10 : i32, message = "ep_run_kernel"}> : () -> ()
          %iota3A = tpu.iota {dimensions = array<i32: 0>} : vector<16xi32>
          %mul3A_245 = arith.constant 2 : i32
          %mul3A_246 = vector.broadcast %mul3A_245 : i32 to vector<16xi32>
          %mul3A_247 = arith.muli %iota3A, %mul3A_246 : vector<16xi32>
          %iota3A_248 = tpu.iota {dimensions = array<i32: 0>} : vector<16xi32>
          %mul3A_249 = arith.constant 0 : i32
          %mul3A_250 = vector.broadcast %mul3A_249 : i32 to vector<16xi32>
          %mul3A_251 = arith.muli %iota3A_248, %mul3A_250 : vector<16xi32>
          %parallel_loop3A = arith.constant 0 : i32
          %parallel_loop3A_252 = arith.constant 125 : i32
          %parallel_loop3A_253 = arith.constant 1 : i32
          scf.for %parallel_loop3A_334 = %parallel_loop3A to %parallel_loop3A_252 step %parallel_loop3A_253  : i32 {
            %parallel_loop3A_335 = arith.constant 0 : i32
            %parallel_loop3A_336 = arith.constant 0 : i32
            %parallel_loop3A_337 = arith.constant 0 : i32
            %parallel_loop3A_338 = arith.constant 0 : i32
            %parallel_loop3A_339 = tpu.memref_slice %run_scoped3A[%rem3A_242, %parallel_loop3A_336, %parallel_loop3A_337, %parallel_loop3A_338] : memref<2x1x125x128xi32, #tpu.memory_space<vmem>> -> memref<1x1x125x128xi32, #tpu.memory_space<vmem>>
            %parallel_loop3A_340 = tpu.memref_squeeze %parallel_loop3A_339 : memref<1x1x125x128xi32, #tpu.memory_space<vmem>> -> memref<1x125x128xi32, #tpu.memory_space<vmem>>
            %parallel_loop3A_341 = arith.index_cast %parallel_loop3A_335 : i32 to index
            %parallel_loop3A_342 = arith.index_cast %parallel_loop3A_334 : i32 to index
            %parallel_loop3A_343 = arith.constant 0 : index
            %parallel_loop3A_344 = tpu.vector_load %parallel_loop3A_340[%parallel_loop3A_341, %parallel_loop3A_342, %parallel_loop3A_343] {strides = array<i32>} : memref<1x125x128xi32, #tpu.memory_space<vmem>>, vector<16xi32>,
            %parallel_loop3A_345 = arith.constant 0 : i32
            %parallel_loop3A_346 = arith.constant 0 : i32
            %parallel_loop3A_347 = arith.constant 0 : i32
            %parallel_loop3A_348 = arith.constant 0 : i32
            %parallel_loop3A_349 = tpu.memref_slice %run_scoped3A[%rem3A_242, %parallel_loop3A_346, %parallel_loop3A_347, %parallel_loop3A_348] : memref<2x1x125x128xi32, #tpu.memory_space<vmem>> -> memref<1x1x125x128xi32, #tpu.memory_space<vmem>>
            %parallel_loop3A_350 = tpu.memref_squeeze %parallel_loop3A_349 : memref<1x1x125x128xi32, #tpu.memory_space<vmem>> -> memref<1x125x128xi32, #tpu.memory_space<vmem>>
            %parallel_loop3A_351 = arith.index_cast %parallel_loop3A_345 : i32 to index
            %parallel_loop3A_352 = arith.index_cast %parallel_loop3A_334 : i32 to index
            %parallel_loop3A_353 = arith.constant 16 : index
            %parallel_loop3A_354 = tpu.vector_load %parallel_loop3A_350[%parallel_loop3A_351, %parallel_loop3A_352, %parallel_loop3A_353] {strides = array<i32>} : memref<1x125x128xi32, #tpu.memory_space<vmem>>, vector<16xi32>,
            %parallel_loop3A_355 = tpu.vector_load_idx %arg5[%parallel_loop3A_344] : memref<10016xf32, #tpu.memory_space<vmem>>[vector<16xi32>], vector<16xf32>,
            %parallel_loop3A_356 = tpu.vector_load_idx %arg5[%parallel_loop3A_354] : memref<10016xf32, #tpu.memory_space<vmem>>[vector<16xi32>], vector<16xf32>,
            %parallel_loop3A_357 = arith.constant 0 : i32
            %parallel_loop3A_358 = arith.constant 0 : i32
            %parallel_loop3A_359 = arith.constant 0 : i32
            %parallel_loop3A_360 = arith.constant 0 : i32
            %parallel_loop3A_361 = tpu.memref_slice %run_scoped3A_18[%rem3A_244, %parallel_loop3A_358, %parallel_loop3A_359, %parallel_loop3A_360] : memref<2x1x125x128xf32, #tpu.memory_space<vmem>> -> memref<1x1x125x128xf32, #tpu.memory_space<vmem>>
            %parallel_loop3A_362 = tpu.memref_squeeze %parallel_loop3A_361 : memref<1x1x125x128xf32, #tpu.memory_space<vmem>> -> memref<1x125x128xf32, #tpu.memory_space<vmem>>
            %parallel_loop3A_363 = arith.index_cast %parallel_loop3A_357 : i32 to index
            %parallel_loop3A_364 = arith.index_cast %parallel_loop3A_334 : i32 to index
            %parallel_loop3A_365 = arith.constant 0 : index
            %parallel_loop3A_366 = tpu.vector_load %parallel_loop3A_362[%parallel_loop3A_363, %parallel_loop3A_364, %parallel_loop3A_365] {strides = array<i32>} : memref<1x125x128xf32, #tpu.memory_space<vmem>>, vector<16xf32>,
            tpu.vector_store %parallel_loop3A_362[%parallel_loop3A_363, %parallel_loop3A_364, %parallel_loop3A_365], %parallel_loop3A_355 {strides = array<i32>} : memref<1x125x128xf32, #tpu.memory_space<vmem>>, vector<16xf32>,
            %parallel_loop3A_367 = arith.constant 0 : i32
            %parallel_loop3A_368 = arith.constant 0 : i32
            %parallel_loop3A_369 = arith.constant 0 : i32
            %parallel_loop3A_370 = arith.constant 0 : i32
            %parallel_loop3A_371 = tpu.memref_slice %run_scoped3A_18[%rem3A_244, %parallel_loop3A_368, %parallel_loop3A_369, %parallel_loop3A_370] : memref<2x1x125x128xf32, #tpu.memory_space<vmem>> -> memref<1x1x125x128xf32, #tpu.memory_space<vmem>>
            %parallel_loop3A_372 = tpu.memref_squeeze %parallel_loop3A_371 : memref<1x1x125x128xf32, #tpu.memory_space<vmem>> -> memref<1x125x128xf32, #tpu.memory_space<vmem>>
            %parallel_loop3A_373 = arith.index_cast %parallel_loop3A_367 : i32 to index
            %parallel_loop3A_374 = arith.index_cast %parallel_loop3A_334 : i32 to index
            %parallel_loop3A_375 = arith.constant 16 : index
            %parallel_loop3A_376 = tpu.vector_load %parallel_loop3A_372[%parallel_loop3A_373, %parallel_loop3A_374, %parallel_loop3A_375] {strides = array<i32>} : memref<1x125x128xf32, #tpu.memory_space<vmem>>, vector<16xf32>,
            tpu.vector_store %parallel_loop3A_372[%parallel_loop3A_373, %parallel_loop3A_374, %parallel_loop3A_375], %parallel_loop3A_356 {strides = array<i32>} : memref<1x125x128xf32, #tpu.memory_space<vmem>>, vector<16xf32>,
            %parallel_loop3A_377 = arith.constant 0 : i32
            %parallel_loop3A_378 = arith.constant 0 : i32
            %parallel_loop3A_379 = arith.constant 0 : i32
            %parallel_loop3A_380 = arith.constant 0 : i32
            %parallel_loop3A_381 = tpu.memref_slice %run_scoped3A[%rem3A_242, %parallel_loop3A_378, %parallel_loop3A_379, %parallel_loop3A_380] : memref<2x1x125x128xi32, #tpu.memory_space<vmem>> -> memref<1x1x125x128xi32, #tpu.memory_space<vmem>>
            %parallel_loop3A_382 = tpu.memref_squeeze %parallel_loop3A_381 : memref<1x1x125x128xi32, #tpu.memory_space<vmem>> -> memref<1x125x128xi32, #tpu.memory_space<vmem>>
            %parallel_loop3A_383 = arith.index_cast %parallel_loop3A_377 : i32 to index
            %parallel_loop3A_384 = arith.index_cast %parallel_loop3A_334 : i32 to index
            %parallel_loop3A_385 = arith.constant 32 : index
            %parallel_loop3A_386 = tpu.vector_load %parallel_loop3A_382[%parallel_loop3A_383, %parallel_loop3A_384, %parallel_loop3A_385] {strides = array<i32>} : memref<1x125x128xi32, #tpu.memory_space<vmem>>, vector<16xi32>,
            %parallel_loop3A_387 = arith.constant 0 : i32
            %parallel_loop3A_388 = arith.constant 0 : i32
            %parallel_loop3A_389 = arith.constant 0 : i32
            %parallel_loop3A_390 = arith.constant 0 : i32
            %parallel_loop3A_391 = tpu.memref_slice %run_scoped3A[%rem3A_242, %parallel_loop3A_388, %parallel_loop3A_389, %parallel_loop3A_390] : memref<2x1x125x128xi32, #tpu.memory_space<vmem>> -> memref<1x1x125x128xi32, #tpu.memory_space<vmem>>
            %parallel_loop3A_392 = tpu.memref_squeeze %parallel_loop3A_391 : memref<1x1x125x128xi32, #tpu.memory_space<vmem>> -> memref<1x125x128xi32, #tpu.memory_space<vmem>>
            %parallel_loop3A_393 = arith.index_cast %parallel_loop3A_387 : i32 to index
            %parallel_loop3A_394 = arith.index_cast %parallel_loop3A_334 : i32 to index
            %parallel_loop3A_395 = arith.constant 48 : index
            %parallel_loop3A_396 = tpu.vector_load %parallel_loop3A_392[%parallel_loop3A_393, %parallel_loop3A_394, %parallel_loop3A_395] {strides = array<i32>} : memref<1x125x128xi32, #tpu.memory_space<vmem>>, vector<16xi32>,
            %parallel_loop3A_397 = tpu.vector_load_idx %arg5[%parallel_loop3A_386] : memref<10016xf32, #tpu.memory_space<vmem>>[vector<16xi32>], vector<16xf32>,
            %parallel_loop3A_398 = tpu.vector_load_idx %arg5[%parallel_loop3A_396] : memref<10016xf32, #tpu.memory_space<vmem>>[vector<16xi32>], vector<16xf32>,
            %parallel_loop3A_399 = arith.constant 0 : i32
            %parallel_loop3A_400 = arith.constant 0 : i32
            %parallel_loop3A_401 = arith.constant 0 : i32
            %parallel_loop3A_402 = arith.constant 0 : i32
            %parallel_loop3A_403 = tpu.memref_slice %run_scoped3A_18[%rem3A_244, %parallel_loop3A_400, %parallel_loop3A_401, %parallel_loop3A_402] : memref<2x1x125x128xf32, #tpu.memory_space<vmem>> -> memref<1x1x125x128xf32, #tpu.memory_space<vmem>>
            %parallel_loop3A_404 = tpu.memref_squeeze %parallel_loop3A_403 : memref<1x1x125x128xf32, #tpu.memory_space<vmem>> -> memref<1x125x128xf32, #tpu.memory_space<vmem>>
            %parallel_loop3A_405 = arith.index_cast %parallel_loop3A_399 : i32 to index
            %parallel_loop3A_406 = arith.index_cast %parallel_loop3A_334 : i32 to index
            %parallel_loop3A_407 = arith.constant 32 : index
            %parallel_loop3A_408 = tpu.vector_load %parallel_loop3A_404[%parallel_loop3A_405, %parallel_loop3A_406, %parallel_loop3A_407] {strides = array<i32>} : memref<1x125x128xf32, #tpu.memory_space<vmem>>, vector<16xf32>,
            tpu.vector_store %parallel_loop3A_404[%parallel_loop3A_405, %parallel_loop3A_406, %parallel_loop3A_407], %parallel_loop3A_397 {strides = array<i32>} : memref<1x125x128xf32, #tpu.memory_space<vmem>>, vector<16xf32>,
            %parallel_loop3A_409 = arith.constant 0 : i32
            %parallel_loop3A_410 = arith.constant 0 : i32
            %parallel_loop3A_411 = arith.constant 0 : i32
            %parallel_loop3A_412 = arith.constant 0 : i32
            %parallel_loop3A_413 = tpu.memref_slice %run_scoped3A_18[%rem3A_244, %parallel_loop3A_410, %parallel_loop3A_411, %parallel_loop3A_412] : memref<2x1x125x128xf32, #tpu.memory_space<vmem>> -> memref<1x1x125x128xf32, #tpu.memory_space<vmem>>
            %parallel_loop3A_414 = tpu.memref_squeeze %parallel_loop3A_413 : memref<1x1x125x128xf32, #tpu.memory_space<vmem>> -> memref<1x125x128xf32, #tpu.memory_space<vmem>>
            %parallel_loop3A_415 = arith.index_cast %parallel_loop3A_409 : i32 to index
            %parallel_loop3A_416 = arith.index_cast %parallel_loop3A_334 : i32 to index
            %parallel_loop3A_417 = arith.constant 48 : index
            %parallel_loop3A_418 = tpu.vector_load %parallel_loop3A_414[%parallel_loop3A_415, %parallel_loop3A_416, %parallel_loop3A_417] {strides = array<i32>} : memref<1x125x128xf32, #tpu.memory_space<vmem>>, vector<16xf32>,
            tpu.vector_store %parallel_loop3A_414[%parallel_loop3A_415, %parallel_loop3A_416, %parallel_loop3A_417], %parallel_loop3A_398 {strides = array<i32>} : memref<1x125x128xf32, #tpu.memory_space<vmem>>, vector<16xf32>,
            %parallel_loop3A_419 = arith.constant 0 : i32
            %parallel_loop3A_420 = arith.constant 0 : i32
            %parallel_loop3A_421 = arith.constant 0 : i32
            %parallel_loop3A_422 = arith.constant 0 : i32
            %parallel_loop3A_423 = tpu.memref_slice %run_scoped3A[%rem3A_242, %parallel_loop3A_420, %parallel_loop3A_421, %parallel_loop3A_422] : memref<2x1x125x128xi32, #tpu.memory_space<vmem>> -> memref<1x1x125x128xi32, #tpu.memory_space<vmem>>
            %parallel_loop3A_424 = tpu.memref_squeeze %parallel_loop3A_423 : memref<1x1x125x128xi32, #tpu.memory_space<vmem>> -> memref<1x125x128xi32, #tpu.memory_space<vmem>>
            %parallel_loop3A_425 = arith.index_cast %parallel_loop3A_419 : i32 to index
            %parallel_loop3A_426 = arith.index_cast %parallel_loop3A_334 : i32 to index
            %parallel_loop3A_427 = arith.constant 64 : index
            %parallel_loop3A_428 = tpu.vector_load %parallel_loop3A_424[%parallel_loop3A_425, %parallel_loop3A_426, %parallel_loop3A_427] {strides = array<i32>} : memref<1x125x128xi32, #tpu.memory_space<vmem>>, vector<16xi32>,
            %parallel_loop3A_429 = arith.constant 0 : i32
            %parallel_loop3A_430 = arith.constant 0 : i32
            %parallel_loop3A_431 = arith.constant 0 : i32
            %parallel_loop3A_432 = arith.constant 0 : i32
            %parallel_loop3A_433 = tpu.memref_slice %run_scoped3A[%rem3A_242, %parallel_loop3A_430, %parallel_loop3A_431, %parallel_loop3A_432] : memref<2x1x125x128xi32, #tpu.memory_space<vmem>> -> memref<1x1x125x128xi32, #tpu.memory_space<vmem>>
            %parallel_loop3A_434 = tpu.memref_squeeze %parallel_loop3A_433 : memref<1x1x125x128xi32, #tpu.memory_space<vmem>> -> memref<1x125x128xi32, #tpu.memory_space<vmem>>
            %parallel_loop3A_435 = arith.index_cast %parallel_loop3A_429 : i32 to index
            %parallel_loop3A_436 = arith.index_cast %parallel_loop3A_334 : i32 to index
            %parallel_loop3A_437 = arith.constant 80 : index
            %parallel_loop3A_438 = tpu.vector_load %parallel_loop3A_434[%parallel_loop3A_435, %parallel_loop3A_436, %parallel_loop3A_437] {strides = array<i32>} : memref<1x125x128xi32, #tpu.memory_space<vmem>>, vector<16xi32>,
            %parallel_loop3A_439 = tpu.vector_load_idx %arg5[%parallel_loop3A_428] : memref<10016xf32, #tpu.memory_space<vmem>>[vector<16xi32>], vector<16xf32>,
            %parallel_loop3A_440 = tpu.vector_load_idx %arg5[%parallel_loop3A_438] : memref<10016xf32, #tpu.memory_space<vmem>>[vector<16xi32>], vector<16xf32>,
            %parallel_loop3A_441 = arith.constant 0 : i32
            %parallel_loop3A_442 = arith.constant 0 : i32
            %parallel_loop3A_443 = arith.constant 0 : i32
            %parallel_loop3A_444 = arith.constant 0 : i32
            %parallel_loop3A_445 = tpu.memref_slice %run_scoped3A_18[%rem3A_244, %parallel_loop3A_442, %parallel_loop3A_443, %parallel_loop3A_444] : memref<2x1x125x128xf32, #tpu.memory_space<vmem>> -> memref<1x1x125x128xf32, #tpu.memory_space<vmem>>
            %parallel_loop3A_446 = tpu.memref_squeeze %parallel_loop3A_445 : memref<1x1x125x128xf32, #tpu.memory_space<vmem>> -> memref<1x125x128xf32, #tpu.memory_space<vmem>>
            %parallel_loop3A_447 = arith.index_cast %parallel_loop3A_441 : i32 to index
            %parallel_loop3A_448 = arith.index_cast %parallel_loop3A_334 : i32 to index
            %parallel_loop3A_449 = arith.constant 64 : index
            %parallel_loop3A_450 = tpu.vector_load %parallel_loop3A_446[%parallel_loop3A_447, %parallel_loop3A_448, %parallel_loop3A_449] {strides = array<i32>} : memref<1x125x128xf32, #tpu.memory_space<vmem>>, vector<16xf32>,
            tpu.vector_store %parallel_loop3A_446[%parallel_loop3A_447, %parallel_loop3A_448, %parallel_loop3A_449], %parallel_loop3A_439 {strides = array<i32>} : memref<1x125x128xf32, #tpu.memory_space<vmem>>, vector<16xf32>,
            %parallel_loop3A_451 = arith.constant 0 : i32
            %parallel_loop3A_452 = arith.constant 0 : i32
            %parallel_loop3A_453 = arith.constant 0 : i32
            %parallel_loop3A_454 = arith.constant 0 : i32
            %parallel_loop3A_455 = tpu.memref_slice %run_scoped3A_18[%rem3A_244, %parallel_loop3A_452, %parallel_loop3A_453, %parallel_loop3A_454] : memref<2x1x125x128xf32, #tpu.memory_space<vmem>> -> memref<1x1x125x128xf32, #tpu.memory_space<vmem>>
            %parallel_loop3A_456 = tpu.memref_squeeze %parallel_loop3A_455 : memref<1x1x125x128xf32, #tpu.memory_space<vmem>> -> memref<1x125x128xf32, #tpu.memory_space<vmem>>
            %parallel_loop3A_457 = arith.index_cast %parallel_loop3A_451 : i32 to index
            %parallel_loop3A_458 = arith.index_cast %parallel_loop3A_334 : i32 to index
            %parallel_loop3A_459 = arith.constant 80 : index
            %parallel_loop3A_460 = tpu.vector_load %parallel_loop3A_456[%parallel_loop3A_457, %parallel_loop3A_458, %parallel_loop3A_459] {strides = array<i32>} : memref<1x125x128xf32, #tpu.memory_space<vmem>>, vector<16xf32>,
            tpu.vector_store %parallel_loop3A_456[%parallel_loop3A_457, %parallel_loop3A_458, %parallel_loop3A_459], %parallel_loop3A_440 {strides = array<i32>} : memref<1x125x128xf32, #tpu.memory_space<vmem>>, vector<16xf32>,
            %parallel_loop3A_461 = arith.constant 0 : i32
            %parallel_loop3A_462 = arith.constant 0 : i32
            %parallel_loop3A_463 = arith.constant 0 : i32
            %parallel_loop3A_464 = arith.constant 0 : i32
            %parallel_loop3A_465 = tpu.memref_slice %run_scoped3A[%rem3A_242, %parallel_loop3A_462, %parallel_loop3A_463, %parallel_loop3A_464] : memref<2x1x125x128xi32, #tpu.memory_space<vmem>> -> memref<1x1x125x128xi32, #tpu.memory_space<vmem>>
            %parallel_loop3A_466 = tpu.memref_squeeze %parallel_loop3A_465 : memref<1x1x125x128xi32, #tpu.memory_space<vmem>> -> memref<1x125x128xi32, #tpu.memory_space<vmem>>
            %parallel_loop3A_467 = arith.index_cast %parallel_loop3A_461 : i32 to index
            %parallel_loop3A_468 = arith.index_cast %parallel_loop3A_334 : i32 to index
            %parallel_loop3A_469 = arith.constant 96 : index
            %parallel_loop3A_470 = tpu.vector_load %parallel_loop3A_466[%parallel_loop3A_467, %parallel_loop3A_468, %parallel_loop3A_469] {strides = array<i32>} : memref<1x125x128xi32, #tpu.memory_space<vmem>>, vector<16xi32>,
            %parallel_loop3A_471 = arith.constant 0 : i32
            %parallel_loop3A_472 = arith.constant 0 : i32
            %parallel_loop3A_473 = arith.constant 0 : i32
            %parallel_loop3A_474 = arith.constant 0 : i32
            %parallel_loop3A_475 = tpu.memref_slice %run_scoped3A[%rem3A_242, %parallel_loop3A_472, %parallel_loop3A_473, %parallel_loop3A_474] : memref<2x1x125x128xi32, #tpu.memory_space<vmem>> -> memref<1x1x125x128xi32, #tpu.memory_space<vmem>>
            %parallel_loop3A_476 = tpu.memref_squeeze %parallel_loop3A_475 : memref<1x1x125x128xi32, #tpu.memory_space<vmem>> -> memref<1x125x128xi32, #tpu.memory_space<vmem>>
            %parallel_loop3A_477 = arith.index_cast %parallel_loop3A_471 : i32 to index
            %parallel_loop3A_478 = arith.index_cast %parallel_loop3A_334 : i32 to index
            %parallel_loop3A_479 = arith.constant 112 : index
            %parallel_loop3A_480 = tpu.vector_load %parallel_loop3A_476[%parallel_loop3A_477, %parallel_loop3A_478, %parallel_loop3A_479] {strides = array<i32>} : memref<1x125x128xi32, #tpu.memory_space<vmem>>, vector<16xi32>,
            %parallel_loop3A_481 = tpu.vector_load_idx %arg5[%parallel_loop3A_470] : memref<10016xf32, #tpu.memory_space<vmem>>[vector<16xi32>], vector<16xf32>,
            %parallel_loop3A_482 = tpu.vector_load_idx %arg5[%parallel_loop3A_480] : memref<10016xf32, #tpu.memory_space<vmem>>[vector<16xi32>], vector<16xf32>,
            %parallel_loop3A_483 = arith.constant 0 : i32
            %parallel_loop3A_484 = arith.constant 0 : i32
            %parallel_loop3A_485 = arith.constant 0 : i32
            %parallel_loop3A_486 = arith.constant 0 : i32
            %parallel_loop3A_487 = tpu.memref_slice %run_scoped3A_18[%rem3A_244, %parallel_loop3A_484, %parallel_loop3A_485, %parallel_loop3A_486] : memref<2x1x125x128xf32, #tpu.memory_space<vmem>> -> memref<1x1x125x128xf32, #tpu.memory_space<vmem>>
            %parallel_loop3A_488 = tpu.memref_squeeze %parallel_loop3A_487 : memref<1x1x125x128xf32, #tpu.memory_space<vmem>> -> memref<1x125x128xf32, #tpu.memory_space<vmem>>
            %parallel_loop3A_489 = arith.index_cast %parallel_loop3A_483 : i32 to index
            %parallel_loop3A_490 = arith.index_cast %parallel_loop3A_334 : i32 to index
            %parallel_loop3A_491 = arith.constant 96 : index
            %parallel_loop3A_492 = tpu.vector_load %parallel_loop3A_488[%parallel_loop3A_489, %parallel_loop3A_490, %parallel_loop3A_491] {strides = array<i32>} : memref<1x125x128xf32, #tpu.memory_space<vmem>>, vector<16xf32>,
            tpu.vector_store %parallel_loop3A_488[%parallel_loop3A_489, %parallel_loop3A_490, %parallel_loop3A_491], %parallel_loop3A_481 {strides = array<i32>} : memref<1x125x128xf32, #tpu.memory_space<vmem>>, vector<16xf32>,
            %parallel_loop3A_493 = arith.constant 0 : i32
            %parallel_loop3A_494 = arith.constant 0 : i32
            %parallel_loop3A_495 = arith.constant 0 : i32
            %parallel_loop3A_496 = arith.constant 0 : i32
            %parallel_loop3A_497 = tpu.memref_slice %run_scoped3A_18[%rem3A_244, %parallel_loop3A_494, %parallel_loop3A_495, %parallel_loop3A_496] : memref<2x1x125x128xf32, #tpu.memory_space<vmem>> -> memref<1x1x125x128xf32, #tpu.memory_space<vmem>>
            %parallel_loop3A_498 = tpu.memref_squeeze %parallel_loop3A_497 : memref<1x1x125x128xf32, #tpu.memory_space<vmem>> -> memref<1x125x128xf32, #tpu.memory_space<vmem>>
            %parallel_loop3A_499 = arith.index_cast %parallel_loop3A_493 : i32 to index
            %parallel_loop3A_500 = arith.index_cast %parallel_loop3A_334 : i32 to index
            %parallel_loop3A_501 = arith.constant 112 : index
            %parallel_loop3A_502 = tpu.vector_load %parallel_loop3A_498[%parallel_loop3A_499, %parallel_loop3A_500, %parallel_loop3A_501] {strides = array<i32>} : memref<1x125x128xf32, #tpu.memory_space<vmem>>, vector<16xf32>,
            tpu.vector_store %parallel_loop3A_498[%parallel_loop3A_499, %parallel_loop3A_500, %parallel_loop3A_501], %parallel_loop3A_482 {strides = array<i32>} : memref<1x125x128xf32, #tpu.memory_space<vmem>>, vector<16xf32>,
          } {sc.loop_unroll_factor = 2 : i64, sc.parallel_access}
          "tpu.trace_stop"() : () -> ()
          %ne3A_254 = arith.cmpi ne, %add3A_159, %add3A_177 : i32
          %or3A_255 = arith.constant false
          %or3A_256 = arith.ori %or3A_255, %ne3A_254 : i1
          %or3A_257 = arith.constant false
          %or3A_258 = arith.ori %or3A_256, %or3A_257 : i1
          %or3A_259 = arith.constant false
          %or3A_260 = arith.ori %or3A_258, %or3A_259 : i1
          %or3A_261 = arith.ori %or3A_260, %eq3A_158 : i1
          %convert_element_type3A_262 = arith.extui %or3A_261 : i1 to i32
          %cond3A_263 = arith.constant 0 : i32
          %cond3A_264 = arith.cmpi ne, %convert_element_type3A_262, %cond3A_263 : i32
          scf.if %cond3A_264 {
          } else {
          }
          %and3A_265 = arith.constant false
          %and3A_266 = arith.andi %or3A_261, %and3A_265 : i1
          %ne3A_267 = arith.cmpi ne, %add3A_159, %add3A_177 : i32
          %or3A_268 = arith.constant false
          %or3A_269 = arith.ori %or3A_268, %ne3A_267 : i1
          %or3A_270 = arith.constant false
          %or3A_271 = arith.ori %or3A_269, %or3A_270 : i1
          %or3A_272 = arith.constant false
          %or3A_273 = arith.ori %or3A_271, %or3A_272 : i1
          %or3A_274 = arith.ori %or3A_273, %eq3A_158 : i1
          %convert_element_type3A_275 = arith.extui %or3A_274 : i1 to i32
          %cond3A_276 = arith.constant 0 : i32
          %cond3A_277 = arith.cmpi ne, %convert_element_type3A_275, %cond3A_276 : i32
          scf.if %cond3A_277 {
            "tpu.trace_start"() <{level = 10 : i32, message = "ep_copy_out"}> : () -> ()
            %rem3A_334 = arith.constant 2 : i32
            %rem3A_335 = arith.remui %while3A_149, %rem3A_334 : i32
            %mul3A_336 = arith.constant 1 : i32
            %mul3A_337 = arith.muli %mul3A_336, %add3A_159 : i32
            %dma_start3A_338 = arith.constant 0 : i32
            %dma_start3A_339 = arith.constant 0 : i32
            %dma_start3A_340 = arith.constant 0 : i32
            %dma_start3A_341 = tpu.memref_slice %run_scoped3A_18[%rem3A_335, %dma_start3A_338, %dma_start3A_339, %dma_start3A_340] : memref<2x1x125x128xf32, #tpu.memory_space<vmem>> -> memref<1x1x125x128xf32, #tpu.memory_space<vmem>>
            %dma_start3A_342 = tpu.memref_squeeze %dma_start3A_341 : memref<1x1x125x128xf32, #tpu.memory_space<vmem>> -> memref<1x125x128xf32, #tpu.memory_space<vmem>>
            %dma_start3A_343 = arith.constant 0 : i32
            %dma_start3A_344 = arith.constant 0 : i32
            %dma_start3A_345 = tpu.memref_slice %arg4[%mul3A_337, %dma_start3A_343, %dma_start3A_344] : memref<125x125x128xf32, #tpu.memory_space<hbm>> -> memref<1x125x128xf32, #tpu.memory_space<hbm>>
            %dma_start3A_346 = tpu.memref_slice %run_scoped3A_19[%rem3A_335] : memref<2x!tpu.dma_semaphore, #tpu.memory_space<semaphore_mem>> -> memref<1x!tpu.dma_semaphore, #tpu.memory_space<semaphore_mem>>
            %dma_start3A_347 = tpu.memref_squeeze %dma_start3A_346 : memref<1x!tpu.dma_semaphore, #tpu.memory_space<semaphore_mem>> -> memref<!tpu.dma_semaphore, #tpu.memory_space<semaphore_mem>>
            %dma_start3A_348 = arith.constant 0 : i32
            %dma_start3A_349 = arith.constant 0 : i32
            %dma_start3A_350 = tpu.memref_slice %arg4[%mul3A_337, %dma_start3A_348, %dma_start3A_349] : memref<125x125x128xf32, #tpu.memory_space<hbm>> -> memref<1x125x128xf32, #tpu.memory_space<hbm>>
            %dma_start3A_351 = arith.constant 0 : i32
            %dma_start3A_352 = arith.constant 0 : i32
            %dma_start3A_353 = arith.constant 0 : i32
            %dma_start3A_354 = tpu.memref_slice %run_scoped3A_18[%rem3A_335, %dma_start3A_351, %dma_start3A_352, %dma_start3A_353] : memref<2x1x125x128xf32, #tpu.memory_space<vmem>> -> memref<1x1x125x128xf32, #tpu.memory_space<vmem>>
            %dma_start3A_355 = tpu.memref_squeeze %dma_start3A_354 : memref<1x1x125x128xf32, #tpu.memory_space<vmem>> -> memref<1x125x128xf32, #tpu.memory_space<vmem>>
            tpu.enqueue_dma source(%dma_start3A_355 : memref<1x125x128xf32, #tpu.memory_space<vmem>>) target(%dma_start3A_350 : memref<1x125x128xf32, #tpu.memory_space<hbm>>) target_semaphore(%dma_start3A_347 : memref<!tpu.dma_semaphore, #tpu.memory_space<semaphore_mem>>)
            "tpu.trace_stop"() : () -> ()
          } else {
          }
          %and3A_278 = arith.constant true
          %and3A_279 = arith.andi %or3A_274, %and3A_278 : i1
          %add3A_280 = arith.constant 1 : i32
          %add3A_281 = arith.addi %while3A_149, %add3A_280 : i32
          %select_n3A_282 = arith.select %and3A_279, %add3A_281, %while3A_149 : i32
          %ne3A_283 = arith.cmpi ne, %add3A_159, %add3A_169 : i32
          %or3A_284 = arith.constant false
          %or3A_285 = arith.ori %or3A_284, %ne3A_283 : i1
          %or3A_286 = arith.constant false
          %or3A_287 = arith.ori %or3A_285, %or3A_286 : i1
          %or3A_288 = arith.constant false
          %or3A_289 = arith.ori %or3A_287, %or3A_288 : i1
          %not3A_290 = arith.constant true
          %not3A_291 = arith.xori %eq3A_155, %not3A_290 : i1
          %and3A_292 = arith.andi %or3A_289, %not3A_291 : i1
          %convert_element_type3A_293 = arith.extui %and3A_292 : i1 to i32
          %cond3A_294 = arith.constant 0 : i32
          %cond3A_295 = arith.cmpi ne, %convert_element_type3A_293, %cond3A_294 : i32
          scf.if %cond3A_295 {
          } else {
          }
          %and3A_296 = arith.constant false
          %and3A_297 = arith.andi %and3A_292, %and3A_296 : i1
          %ne3A_298 = arith.cmpi ne, %add3A_159, %add3A_169 : i32
          %or3A_299 = arith.constant false
          %or3A_300 = arith.ori %or3A_299, %ne3A_298 : i1
          %or3A_301 = arith.constant false
          %or3A_302 = arith.ori %or3A_300, %or3A_301 : i1
          %or3A_303 = arith.constant false
          %or3A_304 = arith.ori %or3A_302, %or3A_303 : i1
          %not3A_305 = arith.constant true
          %not3A_306 = arith.xori %eq3A_155, %not3A_305 : i1
          %and3A_307 = arith.andi %or3A_304, %not3A_306 : i1
          %convert_element_type3A_308 = arith.extui %and3A_307 : i1 to i32
          %cond3A_309 = arith.constant 0 : i32
          %cond3A_310 = arith.cmpi ne, %convert_element_type3A_308, %cond3A_309 : i32
          scf.if %cond3A_310 {
            "tpu.trace_start"() <{level = 10 : i32, message = "ep_wait_out"}> : () -> ()
            %rem3A_334 = arith.constant 2 : i32
            %rem3A_335 = arith.remui %while3A_150, %rem3A_334 : i32
            %mul3A_336 = arith.constant 1 : i32
            %mul3A_337 = arith.muli %mul3A_336, %add3A_169 : i32
            %dma_wait3A = arith.constant 0 : i32
            %dma_wait3A_338 = arith.constant 0 : i32
            %dma_wait3A_339 = arith.constant 0 : i32
            %dma_wait3A_340 = tpu.memref_slice %run_scoped3A_18[%rem3A_335, %dma_wait3A, %dma_wait3A_338, %dma_wait3A_339] : memref<2x1x125x128xf32, #tpu.memory_space<vmem>> -> memref<1x1x125x128xf32, #tpu.memory_space<vmem>>
            %dma_wait3A_341 = tpu.memref_squeeze %dma_wait3A_340 : memref<1x1x125x128xf32, #tpu.memory_space<vmem>> -> memref<1x125x128xf32, #tpu.memory_space<vmem>>
            %dma_wait3A_342 = arith.constant 0 : i32
            %dma_wait3A_343 = arith.constant 0 : i32
            %dma_wait3A_344 = tpu.memref_slice %arg4[%mul3A_337, %dma_wait3A_342, %dma_wait3A_343] : memref<125x125x128xf32, #tpu.memory_space<hbm>> -> memref<1x125x128xf32, #tpu.memory_space<hbm>>
            %dma_wait3A_345 = tpu.memref_slice %run_scoped3A_19[%rem3A_335] : memref<2x!tpu.dma_semaphore, #tpu.memory_space<semaphore_mem>> -> memref<1x!tpu.dma_semaphore, #tpu.memory_space<semaphore_mem>>
            %dma_wait3A_346 = tpu.memref_squeeze %dma_wait3A_345 : memref<1x!tpu.dma_semaphore, #tpu.memory_space<semaphore_mem>> -> memref<!tpu.dma_semaphore, #tpu.memory_space<semaphore_mem>>
            %dma_wait3A_347 = arith.constant 0 : i32
            %dma_wait3A_348 = arith.constant 0 : i32
            %dma_wait3A_349 = tpu.memref_slice %arg4[%mul3A_337, %dma_wait3A_347, %dma_wait3A_348] : memref<125x125x128xf32, #tpu.memory_space<hbm>> -> memref<1x125x128xf32, #tpu.memory_space<hbm>>
            %dma_wait3A_350 = arith.constant 0 : i32
            %dma_wait3A_351 = arith.constant 0 : i32
            %dma_wait3A_352 = arith.constant 0 : i32
            %dma_wait3A_353 = tpu.memref_slice %run_scoped3A_18[%rem3A_335, %dma_wait3A_350, %dma_wait3A_351, %dma_wait3A_352] : memref<2x1x125x128xf32, #tpu.memory_space<vmem>> -> memref<1x1x125x128xf32, #tpu.memory_space<vmem>>
            %dma_wait3A_354 = tpu.memref_squeeze %dma_wait3A_353 : memref<1x1x125x128xf32, #tpu.memory_space<vmem>> -> memref<1x125x128xf32, #tpu.memory_space<vmem>>
            tpu.wait_dma2 semaphore(%dma_wait3A_346 : memref<!tpu.dma_semaphore, #tpu.memory_space<semaphore_mem>>) src(%dma_wait3A_354 : memref<1x125x128xf32, #tpu.memory_space<vmem>>) dst(%dma_wait3A_349 : memref<1x125x128xf32, #tpu.memory_space<hbm>>)
            "tpu.trace_stop"() : () -> ()
          } else {
          }
          %and3A_311 = arith.constant true
          %and3A_312 = arith.andi %and3A_307, %and3A_311 : i1
          %add3A_313 = arith.constant 1 : i32
          %add3A_314 = arith.addi %while3A_150, %add3A_313 : i32
          %select_n3A_315 = arith.select %and3A_312, %add3A_314, %while3A_150 : i32
          %ne3A_316 = arith.cmpi ne, %add3A_159, %add3A_177 : i32
          %or3A_317 = arith.constant false
          %or3A_318 = arith.ori %or3A_317, %ne3A_316 : i1
          %or3A_319 = arith.constant false
          %or3A_320 = arith.ori %or3A_318, %or3A_319 : i1
          %or3A_321 = arith.constant false
          %or3A_322 = arith.ori %or3A_320, %or3A_321 : i1
          %or3A_323 = arith.ori %or3A_322, %eq3A_158 : i1
          %add3A_324 = arith.constant 1 : i32
          %add3A_325 = arith.addi %while3A_148, %add3A_324 : i32
          %select_n3A_326 = arith.select %or3A_323, %add3A_325, %while3A_148 : i32
          %add3A_327 = arith.constant 1 : i32
          %add3A_328 = arith.addi %while3A_151, %add3A_327 : i32
          %select_n3A_329 = arith.constant true
          %select_n3A_330 = arith.select %select_n3A_329, %add3A_328, %while3A_151 : i32
          %eq3A_331 = arith.cmpi eq, %select_n3A_330, %select_n3A : i32
          %select_n3A_332 = arith.constant 0 : i32
          %select_n3A_333 = arith.select %eq3A_331, %select_n3A_332, %select_n3A_330 : i32
          scf.yield %select_n3A_203, %select_n3A_326, %select_n3A_282, %select_n3A_315, %select_n3A_333 : i32, i32, i32, i32, i32
        }
        %while3A_93 = arith.constant 1 : i32
        %while3A_94:5 = scf.for %while3A_146 = %while3A_90 to %while3A_86 step %while3A_93 iter_args(%while3A_147 = %while3A_92#0, %while3A_148 = %while3A_92#1, %while3A_149 = %while3A_92#2, %while3A_150 = %while3A_92#3, %while3A_151 = %while3A_92#4) -> (i32, i32, i32, i32, i32)  : i32 {
          %mul3A_152 = arith.constant 1 : i32
          %mul3A_153 = arith.muli %mul3A_152, %select_n3A : i32
          %eq3A_154 = arith.constant 0 : i32
          %eq3A_155 = arith.cmpi eq, %while3A_146, %eq3A_154 : i32
          %sub3A_156 = arith.constant 1 : i32
          %sub3A_157 = arith.subi %mul3A_153, %sub3A_156 : i32
          %eq3A_158 = arith.cmpi eq, %while3A_146, %sub3A_157 : i32
          %add3A_159 = arith.addi %while3A_151, %select_n3A_14 : i32
          %sub3A_160 = arith.constant 1 : i32
          %sub3A_161 = arith.subi %while3A_151, %sub3A_160 : i32
          %select_n3A_162 = arith.constant true
          %select_n3A_163 = arith.select %select_n3A_162, %sub3A_161, %while3A_151 : i32
          %eq3A_164 = arith.constant -1 : i32
          %eq3A_165 = arith.cmpi eq, %select_n3A_163, %eq3A_164 : i32
          %sub3A_166 = arith.constant 1 : i32
          %sub3A_167 = arith.subi %select_n3A, %sub3A_166 : i32
          %select_n3A_168 = arith.select %eq3A_165, %sub3A_167, %select_n3A_163 : i32
          %add3A_169 = arith.addi %select_n3A_168, %select_n3A_14 : i32
          %add3A_170 = arith.constant 1 : i32
          %add3A_171 = arith.addi %while3A_151, %add3A_170 : i32
          %select_n3A_172 = arith.constant true
          %select_n3A_173 = arith.select %select_n3A_172, %add3A_171, %while3A_151 : i32
          %eq3A_174 = arith.cmpi eq, %select_n3A_173, %select_n3A : i32
          %select_n3A_175 = arith.constant 0 : i32
          %select_n3A_176 = arith.select %eq3A_174, %select_n3A_175, %select_n3A_173 : i32
          %add3A_177 = arith.addi %select_n3A_176, %select_n3A_14 : i32
          %add3A_178 = arith.constant 1 : i32
          %add3A_179 = arith.addi %select_n3A_176, %add3A_178 : i32
          %select_n3A_180 = arith.constant true
          %select_n3A_181 = arith.select %select_n3A_180, %add3A_179, %select_n3A_176 : i32
          %eq3A_182 = arith.cmpi eq, %select_n3A_181, %select_n3A : i32
          %select_n3A_183 = arith.constant 0 : i32
          %select_n3A_184 = arith.select %eq3A_182, %select_n3A_183, %select_n3A_181 : i32
          %add3A_185 = arith.addi %select_n3A_184, %select_n3A_14 : i32
          %ne3A = arith.cmpi ne, %add3A_159, %add3A_177 : i32
          %or3A = arith.constant false
          %or3A_186 = arith.ori %or3A, %ne3A : i1
          %or3A_187 = arith.constant false
          %or3A_188 = arith.ori %or3A_186, %or3A_187 : i1
          %or3A_189 = arith.constant false
          %or3A_190 = arith.ori %or3A_188, %or3A_189 : i1
          %sub3A_191 = arith.constant 2 : i32
          %sub3A_192 = arith.subi %mul3A_153, %sub3A_191 : i32
          %add3A_193 = arith.constant 1 : i32
          %add3A_194 = arith.addi %sub3A_192, %add3A_193 : i32
          %ge3A = arith.cmpi sge, %while3A_146, %add3A_194 : i32
          %not3A = arith.constant true
          %not3A_195 = arith.xori %ge3A, %not3A : i1
          %and3A = arith.andi %or3A_190, %not3A_195 : i1
          %convert_element_type3A_196 = arith.extui %and3A : i1 to i32
          %cond3A_197 = arith.constant 0 : i32
          %cond3A_198 = arith.cmpi ne, %convert_element_type3A_196, %cond3A_197 : i32
          scf.if %cond3A_198 {
            "tpu.trace_start"() <{level = 10 : i32, message = "ep_copy_in"}> : () -> ()
            %rem3A_334 = arith.constant 2 : i32
            %rem3A_335 = arith.remui %while3A_147, %rem3A_334 : i32
            %mul3A_336 = arith.constant 1 : i32
            %mul3A_337 = arith.muli %mul3A_336, %add3A_177 : i32
            %dma_start3A_338 = arith.constant 0 : i32
            %dma_start3A_339 = arith.constant 0 : i32
            %dma_start3A_340 = arith.constant 0 : i32
            %dma_start3A_341 = tpu.memref_slice %run_scoped3A[%rem3A_335, %dma_start3A_338, %dma_start3A_339, %dma_start3A_340] : memref<2x1x125x128xi32, #tpu.memory_space<vmem>> -> memref<1x1x125x128xi32, #tpu.memory_space<vmem>>
            %dma_start3A_342 = tpu.memref_squeeze %dma_start3A_341 : memref<1x1x125x128xi32, #tpu.memory_space<vmem>> -> memref<1x125x128xi32, #tpu.memory_space<vmem>>
            %dma_start3A_343 = arith.constant 0 : i32
            %dma_start3A_344 = arith.constant 0 : i32
            %dma_start3A_345 = tpu.memref_slice %arg3[%mul3A_337, %dma_start3A_343, %dma_start3A_344] : memref<125x125x128xi32, #tpu.memory_space<hbm>> -> memref<1x125x128xi32, #tpu.memory_space<hbm>>
            %dma_start3A_346 = tpu.memref_slice %run_scoped3A_17[%rem3A_335] : memref<2x!tpu.dma_semaphore, #tpu.memory_space<semaphore_mem>> -> memref<1x!tpu.dma_semaphore, #tpu.memory_space<semaphore_mem>>
            %dma_start3A_347 = tpu.memref_squeeze %dma_start3A_346 : memref<1x!tpu.dma_semaphore, #tpu.memory_space<semaphore_mem>> -> memref<!tpu.dma_semaphore, #tpu.memory_space<semaphore_mem>>
            %dma_start3A_348 = arith.constant 0 : i32
            %dma_start3A_349 = arith.constant 0 : i32
            %dma_start3A_350 = arith.constant 0 : i32
            %dma_start3A_351 = tpu.memref_slice %run_scoped3A[%rem3A_335, %dma_start3A_348, %dma_start3A_349, %dma_start3A_350] : memref<2x1x125x128xi32, #tpu.memory_space<vmem>> -> memref<1x1x125x128xi32, #tpu.memory_space<vmem>>
            %dma_start3A_352 = tpu.memref_squeeze %dma_start3A_351 : memref<1x1x125x128xi32, #tpu.memory_space<vmem>> -> memref<1x125x128xi32, #tpu.memory_space<vmem>>
            %dma_start3A_353 = arith.constant 0 : i32
            %dma_start3A_354 = arith.constant 0 : i32
            %dma_start3A_355 = tpu.memref_slice %arg3[%mul3A_337, %dma_start3A_353, %dma_start3A_354] : memref<125x125x128xi32, #tpu.memory_space<hbm>> -> memref<1x125x128xi32, #tpu.memory_space<hbm>>
            tpu.enqueue_dma source(%dma_start3A_355 : memref<1x125x128xi32, #tpu.memory_space<hbm>>) target(%dma_start3A_352 : memref<1x125x128xi32, #tpu.memory_space<vmem>>) target_semaphore(%dma_start3A_347 : memref<!tpu.dma_semaphore, #tpu.memory_space<semaphore_mem>>)
            "tpu.trace_stop"() : () -> ()
          } else {
          }
          %and3A_199 = arith.constant true
          %and3A_200 = arith.andi %and3A, %and3A_199 : i1
          %add3A_201 = arith.constant 1 : i32
          %add3A_202 = arith.addi %while3A_147, %add3A_201 : i32
          %select_n3A_203 = arith.select %and3A_200, %add3A_202, %while3A_147 : i32
          %ne3A_204 = arith.cmpi ne, %add3A_159, %add3A_177 : i32
          %or3A_205 = arith.constant false
          %or3A_206 = arith.ori %or3A_205, %ne3A_204 : i1
          %or3A_207 = arith.constant false
          %or3A_208 = arith.ori %or3A_206, %or3A_207 : i1
          %or3A_209 = arith.constant false
          %or3A_210 = arith.ori %or3A_208, %or3A_209 : i1
          %sub3A_211 = arith.constant 2 : i32
          %sub3A_212 = arith.subi %mul3A_153, %sub3A_211 : i32
          %add3A_213 = arith.constant 1 : i32
          %add3A_214 = arith.addi %sub3A_212, %add3A_213 : i32
          %ge3A_215 = arith.cmpi sge, %while3A_146, %add3A_214 : i32
          %not3A_216 = arith.constant true
          %not3A_217 = arith.xori %ge3A_215, %not3A_216 : i1
          %and3A_218 = arith.andi %or3A_210, %not3A_217 : i1
          %ne3A_219 = arith.cmpi ne, %add3A_159, %add3A_169 : i32
          %or3A_220 = arith.constant false
          %or3A_221 = arith.ori %or3A_220, %ne3A_219 : i1
          %or3A_222 = arith.constant false
          %or3A_223 = arith.ori %or3A_221, %or3A_222 : i1
          %or3A_224 = arith.constant false
          %or3A_225 = arith.ori %or3A_223, %or3A_224 : i1
          %or3A_226 = arith.ori %or3A_225, %eq3A_155 : i1
          %convert_element_type3A_227 = arith.extui %or3A_226 : i1 to i32
          %cond3A_228 = arith.constant 0 : i32
          %cond3A_229 = arith.cmpi ne, %convert_element_type3A_227, %cond3A_228 : i32
          scf.if %cond3A_229 {
            "tpu.trace_start"() <{level = 10 : i32, message = "ep_wait_in"}> : () -> ()
            %mul3A_334 = arith.constant 1 : i32
            %mul3A_335 = arith.muli %mul3A_334, %add3A_159 : i32
            %rem3A_336 = arith.constant 2 : i32
            %rem3A_337 = arith.remui %while3A_148, %rem3A_336 : i32
            %dma_wait3A = arith.constant 0 : i32
            %dma_wait3A_338 = arith.constant 0 : i32
            %dma_wait3A_339 = arith.constant 0 : i32
            %dma_wait3A_340 = tpu.memref_slice %run_scoped3A[%rem3A_337, %dma_wait3A, %dma_wait3A_338, %dma_wait3A_339] : memref<2x1x125x128xi32, #tpu.memory_space<vmem>> -> memref<1x1x125x128xi32, #tpu.memory_space<vmem>>
            %dma_wait3A_341 = tpu.memref_squeeze %dma_wait3A_340 : memref<1x1x125x128xi32, #tpu.memory_space<vmem>> -> memref<1x125x128xi32, #tpu.memory_space<vmem>>
            %dma_wait3A_342 = arith.constant 0 : i32
            %dma_wait3A_343 = arith.constant 0 : i32
            %dma_wait3A_344 = tpu.memref_slice %arg3[%mul3A_335, %dma_wait3A_342, %dma_wait3A_343] : memref<125x125x128xi32, #tpu.memory_space<hbm>> -> memref<1x125x128xi32, #tpu.memory_space<hbm>>
            %dma_wait3A_345 = tpu.memref_slice %run_scoped3A_17[%rem3A_337] : memref<2x!tpu.dma_semaphore, #tpu.memory_space<semaphore_mem>> -> memref<1x!tpu.dma_semaphore, #tpu.memory_space<semaphore_mem>>
            %dma_wait3A_346 = tpu.memref_squeeze %dma_wait3A_345 : memref<1x!tpu.dma_semaphore, #tpu.memory_space<semaphore_mem>> -> memref<!tpu.dma_semaphore, #tpu.memory_space<semaphore_mem>>
            %dma_wait3A_347 = arith.constant 0 : i32
            %dma_wait3A_348 = arith.constant 0 : i32
            %dma_wait3A_349 = arith.constant 0 : i32
            %dma_wait3A_350 = tpu.memref_slice %run_scoped3A[%rem3A_337, %dma_wait3A_347, %dma_wait3A_348, %dma_wait3A_349] : memref<2x1x125x128xi32, #tpu.memory_space<vmem>> -> memref<1x1x125x128xi32, #tpu.memory_space<vmem>>
            %dma_wait3A_351 = tpu.memref_squeeze %dma_wait3A_350 : memref<1x1x125x128xi32, #tpu.memory_space<vmem>> -> memref<1x125x128xi32, #tpu.memory_space<vmem>>
            %dma_wait3A_352 = arith.constant 0 : i32
            %dma_wait3A_353 = arith.constant 0 : i32
            %dma_wait3A_354 = tpu.memref_slice %arg3[%mul3A_335, %dma_wait3A_352, %dma_wait3A_353] : memref<125x125x128xi32, #tpu.memory_space<hbm>> -> memref<1x125x128xi32, #tpu.memory_space<hbm>>
            tpu.wait_dma2 semaphore(%dma_wait3A_346 : memref<!tpu.dma_semaphore, #tpu.memory_space<semaphore_mem>>) src(%dma_wait3A_354 : memref<1x125x128xi32, #tpu.memory_space<hbm>>) dst(%dma_wait3A_351 : memref<1x125x128xi32, #tpu.memory_space<vmem>>)
            "tpu.trace_stop"() : () -> ()
          } else {
          }
          %ne3A_230 = arith.cmpi ne, %add3A_159, %add3A_169 : i32
          %or3A_231 = arith.constant false
          %or3A_232 = arith.ori %or3A_231, %ne3A_230 : i1
          %or3A_233 = arith.constant false
          %or3A_234 = arith.ori %or3A_232, %or3A_233 : i1
          %or3A_235 = arith.constant false
          %or3A_236 = arith.ori %or3A_234, %or3A_235 : i1
          %or3A_237 = arith.ori %or3A_236, %eq3A_155 : i1
          %convert_element_type3A_238 = arith.extui %or3A_237 : i1 to i32
          %cond3A_239 = arith.constant 0 : i32
          %cond3A_240 = arith.cmpi ne, %convert_element_type3A_238, %cond3A_239 : i32
          scf.if %cond3A_240 {
          } else {
          }
          %rem3A_241 = arith.constant 2 : i32
          %rem3A_242 = arith.remui %while3A_148, %rem3A_241 : i32
          %rem3A_243 = arith.constant 2 : i32
          %rem3A_244 = arith.remui %while3A_149, %rem3A_243 : i32
          "tpu.trace_start"() <{level = 10 : i32, message = "ep_run_kernel"}> : () -> ()
          %iota3A = tpu.iota {dimensions = array<i32: 0>} : vector<16xi32>
          %mul3A_245 = arith.constant 2 : i32
          %mul3A_246 = vector.broadcast %mul3A_245 : i32 to vector<16xi32>
          %mul3A_247 = arith.muli %iota3A, %mul3A_246 : vector<16xi32>
          %iota3A_248 = tpu.iota {dimensions = array<i32: 0>} : vector<16xi32>
          %mul3A_249 = arith.constant 0 : i32
          %mul3A_250 = vector.broadcast %mul3A_249 : i32 to vector<16xi32>
          %mul3A_251 = arith.muli %iota3A_248, %mul3A_250 : vector<16xi32>
          %parallel_loop3A = arith.constant 0 : i32
          %parallel_loop3A_252 = arith.constant 125 : i32
          %parallel_loop3A_253 = arith.constant 1 : i32
          scf.for %parallel_loop3A_334 = %parallel_loop3A to %parallel_loop3A_252 step %parallel_loop3A_253  : i32 {
            %parallel_loop3A_335 = arith.constant 0 : i32
            %parallel_loop3A_336 = arith.constant 0 : i32
            %parallel_loop3A_337 = arith.constant 0 : i32
            %parallel_loop3A_338 = arith.constant 0 : i32
            %parallel_loop3A_339 = tpu.memref_slice %run_scoped3A[%rem3A_242, %parallel_loop3A_336, %parallel_loop3A_337, %parallel_loop3A_338] : memref<2x1x125x128xi32, #tpu.memory_space<vmem>> -> memref<1x1x125x128xi32, #tpu.memory_space<vmem>>
            %parallel_loop3A_340 = tpu.memref_squeeze %parallel_loop3A_339 : memref<1x1x125x128xi32, #tpu.memory_space<vmem>> -> memref<1x125x128xi32, #tpu.memory_space<vmem>>
            %parallel_loop3A_341 = arith.index_cast %parallel_loop3A_335 : i32 to index
            %parallel_loop3A_342 = arith.index_cast %parallel_loop3A_334 : i32 to index
            %parallel_loop3A_343 = arith.constant 0 : index
            %parallel_loop3A_344 = tpu.vector_load %parallel_loop3A_340[%parallel_loop3A_341, %parallel_loop3A_342, %parallel_loop3A_343] {strides = array<i32>} : memref<1x125x128xi32, #tpu.memory_space<vmem>>, vector<16xi32>,
            %parallel_loop3A_345 = arith.constant 0 : i32
            %parallel_loop3A_346 = arith.constant 0 : i32
            %parallel_loop3A_347 = arith.constant 0 : i32
            %parallel_loop3A_348 = arith.constant 0 : i32
            %parallel_loop3A_349 = tpu.memref_slice %run_scoped3A[%rem3A_242, %parallel_loop3A_346, %parallel_loop3A_347, %parallel_loop3A_348] : memref<2x1x125x128xi32, #tpu.memory_space<vmem>> -> memref<1x1x125x128xi32, #tpu.memory_space<vmem>>
            %parallel_loop3A_350 = tpu.memref_squeeze %parallel_loop3A_349 : memref<1x1x125x128xi32, #tpu.memory_space<vmem>> -> memref<1x125x128xi32, #tpu.memory_space<vmem>>
            %parallel_loop3A_351 = arith.index_cast %parallel_loop3A_345 : i32 to index
            %parallel_loop3A_352 = arith.index_cast %parallel_loop3A_334 : i32 to index
            %parallel_loop3A_353 = arith.constant 16 : index
            %parallel_loop3A_354 = tpu.vector_load %parallel_loop3A_350[%parallel_loop3A_351, %parallel_loop3A_352, %parallel_loop3A_353] {strides = array<i32>} : memref<1x125x128xi32, #tpu.memory_space<vmem>>, vector<16xi32>,
            %parallel_loop3A_355 = tpu.vector_load_idx %arg5[%parallel_loop3A_344] : memref<10016xf32, #tpu.memory_space<vmem>>[vector<16xi32>], vector<16xf32>,
            %parallel_loop3A_356 = tpu.vector_load_idx %arg5[%parallel_loop3A_354] : memref<10016xf32, #tpu.memory_space<vmem>>[vector<16xi32>], vector<16xf32>,
            %parallel_loop3A_357 = arith.constant 0 : i32
            %parallel_loop3A_358 = arith.constant 0 : i32
            %parallel_loop3A_359 = arith.constant 0 : i32
            %parallel_loop3A_360 = arith.constant 0 : i32
            %parallel_loop3A_361 = tpu.memref_slice %run_scoped3A_18[%rem3A_244, %parallel_loop3A_358, %parallel_loop3A_359, %parallel_loop3A_360] : memref<2x1x125x128xf32, #tpu.memory_space<vmem>> -> memref<1x1x125x128xf32, #tpu.memory_space<vmem>>
            %parallel_loop3A_362 = tpu.memref_squeeze %parallel_loop3A_361 : memref<1x1x125x128xf32, #tpu.memory_space<vmem>> -> memref<1x125x128xf32, #tpu.memory_space<vmem>>
            %parallel_loop3A_363 = arith.index_cast %parallel_loop3A_357 : i32 to index
            %parallel_loop3A_364 = arith.index_cast %parallel_loop3A_334 : i32 to index
            %parallel_loop3A_365 = arith.constant 0 : index
            %parallel_loop3A_366 = tpu.vector_load %parallel_loop3A_362[%parallel_loop3A_363, %parallel_loop3A_364, %parallel_loop3A_365] {strides = array<i32>} : memref<1x125x128xf32, #tpu.memory_space<vmem>>, vector<16xf32>,
            tpu.vector_store %parallel_loop3A_362[%parallel_loop3A_363, %parallel_loop3A_364, %parallel_loop3A_365], %parallel_loop3A_355 {strides = array<i32>} : memref<1x125x128xf32, #tpu.memory_space<vmem>>, vector<16xf32>,
            %parallel_loop3A_367 = arith.constant 0 : i32
            %parallel_loop3A_368 = arith.constant 0 : i32
            %parallel_loop3A_369 = arith.constant 0 : i32
            %parallel_loop3A_370 = arith.constant 0 : i32
            %parallel_loop3A_371 = tpu.memref_slice %run_scoped3A_18[%rem3A_244, %parallel_loop3A_368, %parallel_loop3A_369, %parallel_loop3A_370] : memref<2x1x125x128xf32, #tpu.memory_space<vmem>> -> memref<1x1x125x128xf32, #tpu.memory_space<vmem>>
            %parallel_loop3A_372 = tpu.memref_squeeze %parallel_loop3A_371 : memref<1x1x125x128xf32, #tpu.memory_space<vmem>> -> memref<1x125x128xf32, #tpu.memory_space<vmem>>
            %parallel_loop3A_373 = arith.index_cast %parallel_loop3A_367 : i32 to index
            %parallel_loop3A_374 = arith.index_cast %parallel_loop3A_334 : i32 to index
            %parallel_loop3A_375 = arith.constant 16 : index
            %parallel_loop3A_376 = tpu.vector_load %parallel_loop3A_372[%parallel_loop3A_373, %parallel_loop3A_374, %parallel_loop3A_375] {strides = array<i32>} : memref<1x125x128xf32, #tpu.memory_space<vmem>>, vector<16xf32>,
            tpu.vector_store %parallel_loop3A_372[%parallel_loop3A_373, %parallel_loop3A_374, %parallel_loop3A_375], %parallel_loop3A_356 {strides = array<i32>} : memref<1x125x128xf32, #tpu.memory_space<vmem>>, vector<16xf32>,
            %parallel_loop3A_377 = arith.constant 0 : i32
            %parallel_loop3A_378 = arith.constant 0 : i32
            %parallel_loop3A_379 = arith.constant 0 : i32
            %parallel_loop3A_380 = arith.constant 0 : i32
            %parallel_loop3A_381 = tpu.memref_slice %run_scoped3A[%rem3A_242, %parallel_loop3A_378, %parallel_loop3A_379, %parallel_loop3A_380] : memref<2x1x125x128xi32, #tpu.memory_space<vmem>> -> memref<1x1x125x128xi32, #tpu.memory_space<vmem>>
            %parallel_loop3A_382 = tpu.memref_squeeze %parallel_loop3A_381 : memref<1x1x125x128xi32, #tpu.memory_space<vmem>> -> memref<1x125x128xi32, #tpu.memory_space<vmem>>
            %parallel_loop3A_383 = arith.index_cast %parallel_loop3A_377 : i32 to index
            %parallel_loop3A_384 = arith.index_cast %parallel_loop3A_334 : i32 to index
            %parallel_loop3A_385 = arith.constant 32 : index
            %parallel_loop3A_386 = tpu.vector_load %parallel_loop3A_382[%parallel_loop3A_383, %parallel_loop3A_384, %parallel_loop3A_385] {strides = array<i32>} : memref<1x125x128xi32, #tpu.memory_space<vmem>>, vector<16xi32>,
            %parallel_loop3A_387 = arith.constant 0 : i32
            %parallel_loop3A_388 = arith.constant 0 : i32
            %parallel_loop3A_389 = arith.constant 0 : i32
            %parallel_loop3A_390 = arith.constant 0 : i32
            %parallel_loop3A_391 = tpu.memref_slice %run_scoped3A[%rem3A_242, %parallel_loop3A_388, %parallel_loop3A_389, %parallel_loop3A_390] : memref<2x1x125x128xi32, #tpu.memory_space<vmem>> -> memref<1x1x125x128xi32, #tpu.memory_space<vmem>>
            %parallel_loop3A_392 = tpu.memref_squeeze %parallel_loop3A_391 : memref<1x1x125x128xi32, #tpu.memory_space<vmem>> -> memref<1x125x128xi32, #tpu.memory_space<vmem>>
            %parallel_loop3A_393 = arith.index_cast %parallel_loop3A_387 : i32 to index
            %parallel_loop3A_394 = arith.index_cast %parallel_loop3A_334 : i32 to index
            %parallel_loop3A_395 = arith.constant 48 : index
            %parallel_loop3A_396 = tpu.vector_load %parallel_loop3A_392[%parallel_loop3A_393, %parallel_loop3A_394, %parallel_loop3A_395] {strides = array<i32>} : memref<1x125x128xi32, #tpu.memory_space<vmem>>, vector<16xi32>,
            %parallel_loop3A_397 = tpu.vector_load_idx %arg5[%parallel_loop3A_386] : memref<10016xf32, #tpu.memory_space<vmem>>[vector<16xi32>], vector<16xf32>,
            %parallel_loop3A_398 = tpu.vector_load_idx %arg5[%parallel_loop3A_396] : memref<10016xf32, #tpu.memory_space<vmem>>[vector<16xi32>], vector<16xf32>,
            %parallel_loop3A_399 = arith.constant 0 : i32
            %parallel_loop3A_400 = arith.constant 0 : i32
            %parallel_loop3A_401 = arith.constant 0 : i32
            %parallel_loop3A_402 = arith.constant 0 : i32
            %parallel_loop3A_403 = tpu.memref_slice %run_scoped3A_18[%rem3A_244, %parallel_loop3A_400, %parallel_loop3A_401, %parallel_loop3A_402] : memref<2x1x125x128xf32, #tpu.memory_space<vmem>> -> memref<1x1x125x128xf32, #tpu.memory_space<vmem>>
            %parallel_loop3A_404 = tpu.memref_squeeze %parallel_loop3A_403 : memref<1x1x125x128xf32, #tpu.memory_space<vmem>> -> memref<1x125x128xf32, #tpu.memory_space<vmem>>
            %parallel_loop3A_405 = arith.index_cast %parallel_loop3A_399 : i32 to index
            %parallel_loop3A_406 = arith.index_cast %parallel_loop3A_334 : i32 to index
            %parallel_loop3A_407 = arith.constant 32 : index
            %parallel_loop3A_408 = tpu.vector_load %parallel_loop3A_404[%parallel_loop3A_405, %parallel_loop3A_406, %parallel_loop3A_407] {strides = array<i32>} : memref<1x125x128xf32, #tpu.memory_space<vmem>>, vector<16xf32>,
            tpu.vector_store %parallel_loop3A_404[%parallel_loop3A_405, %parallel_loop3A_406, %parallel_loop3A_407], %parallel_loop3A_397 {strides = array<i32>} : memref<1x125x128xf32, #tpu.memory_space<vmem>>, vector<16xf32>,
            %parallel_loop3A_409 = arith.constant 0 : i32
            %parallel_loop3A_410 = arith.constant 0 : i32
            %parallel_loop3A_411 = arith.constant 0 : i32
            %parallel_loop3A_412 = arith.constant 0 : i32
            %parallel_loop3A_413 = tpu.memref_slice %run_scoped3A_18[%rem3A_244, %parallel_loop3A_410, %parallel_loop3A_411, %parallel_loop3A_412] : memref<2x1x125x128xf32, #tpu.memory_space<vmem>> -> memref<1x1x125x128xf32, #tpu.memory_space<vmem>>
            %parallel_loop3A_414 = tpu.memref_squeeze %parallel_loop3A_413 : memref<1x1x125x128xf32, #tpu.memory_space<vmem>> -> memref<1x125x128xf32, #tpu.memory_space<vmem>>
            %parallel_loop3A_415 = arith.index_cast %parallel_loop3A_409 : i32 to index
            %parallel_loop3A_416 = arith.index_cast %parallel_loop3A_334 : i32 to index
            %parallel_loop3A_417 = arith.constant 48 : index
            %parallel_loop3A_418 = tpu.vector_load %parallel_loop3A_414[%parallel_loop3A_415, %parallel_loop3A_416, %parallel_loop3A_417] {strides = array<i32>} : memref<1x125x128xf32, #tpu.memory_space<vmem>>, vector<16xf32>,
            tpu.vector_store %parallel_loop3A_414[%parallel_loop3A_415, %parallel_loop3A_416, %parallel_loop3A_417], %parallel_loop3A_398 {strides = array<i32>} : memref<1x125x128xf32, #tpu.memory_space<vmem>>, vector<16xf32>,
            %parallel_loop3A_419 = arith.constant 0 : i32
            %parallel_loop3A_420 = arith.constant 0 : i32
            %parallel_loop3A_421 = arith.constant 0 : i32
            %parallel_loop3A_422 = arith.constant 0 : i32
            %parallel_loop3A_423 = tpu.memref_slice %run_scoped3A[%rem3A_242, %parallel_loop3A_420, %parallel_loop3A_421, %parallel_loop3A_422] : memref<2x1x125x128xi32, #tpu.memory_space<vmem>> -> memref<1x1x125x128xi32, #tpu.memory_space<vmem>>
            %parallel_loop3A_424 = tpu.memref_squeeze %parallel_loop3A_423 : memref<1x1x125x128xi32, #tpu.memory_space<vmem>> -> memref<1x125x128xi32, #tpu.memory_space<vmem>>
            %parallel_loop3A_425 = arith.index_cast %parallel_loop3A_419 : i32 to index
            %parallel_loop3A_426 = arith.index_cast %parallel_loop3A_334 : i32 to index
            %parallel_loop3A_427 = arith.constant 64 : index
            %parallel_loop3A_428 = tpu.vector_load %parallel_loop3A_424[%parallel_loop3A_425, %parallel_loop3A_426, %parallel_loop3A_427] {strides = array<i32>} : memref<1x125x128xi32, #tpu.memory_space<vmem>>, vector<16xi32>,
            %parallel_loop3A_429 = arith.constant 0 : i32
            %parallel_loop3A_430 = arith.constant 0 : i32
            %parallel_loop3A_431 = arith.constant 0 : i32
            %parallel_loop3A_432 = arith.constant 0 : i32
            %parallel_loop3A_433 = tpu.memref_slice %run_scoped3A[%rem3A_242, %parallel_loop3A_430, %parallel_loop3A_431, %parallel_loop3A_432] : memref<2x1x125x128xi32, #tpu.memory_space<vmem>> -> memref<1x1x125x128xi32, #tpu.memory_space<vmem>>
            %parallel_loop3A_434 = tpu.memref_squeeze %parallel_loop3A_433 : memref<1x1x125x128xi32, #tpu.memory_space<vmem>> -> memref<1x125x128xi32, #tpu.memory_space<vmem>>
            %parallel_loop3A_435 = arith.index_cast %parallel_loop3A_429 : i32 to index
            %parallel_loop3A_436 = arith.index_cast %parallel_loop3A_334 : i32 to index
            %parallel_loop3A_437 = arith.constant 80 : index
            %parallel_loop3A_438 = tpu.vector_load %parallel_loop3A_434[%parallel_loop3A_435, %parallel_loop3A_436, %parallel_loop3A_437] {strides = array<i32>} : memref<1x125x128xi32, #tpu.memory_space<vmem>>, vector<16xi32>,
            %parallel_loop3A_439 = tpu.vector_load_idx %arg5[%parallel_loop3A_428] : memref<10016xf32, #tpu.memory_space<vmem>>[vector<16xi32>], vector<16xf32>,
            %parallel_loop3A_440 = tpu.vector_load_idx %arg5[%parallel_loop3A_438] : memref<10016xf32, #tpu.memory_space<vmem>>[vector<16xi32>], vector<16xf32>,
            %parallel_loop3A_441 = arith.constant 0 : i32
            %parallel_loop3A_442 = arith.constant 0 : i32
            %parallel_loop3A_443 = arith.constant 0 : i32
            %parallel_loop3A_444 = arith.constant 0 : i32
            %parallel_loop3A_445 = tpu.memref_slice %run_scoped3A_18[%rem3A_244, %parallel_loop3A_442, %parallel_loop3A_443, %parallel_loop3A_444] : memref<2x1x125x128xf32, #tpu.memory_space<vmem>> -> memref<1x1x125x128xf32, #tpu.memory_space<vmem>>
            %parallel_loop3A_446 = tpu.memref_squeeze %parallel_loop3A_445 : memref<1x1x125x128xf32, #tpu.memory_space<vmem>> -> memref<1x125x128xf32, #tpu.memory_space<vmem>>
            %parallel_loop3A_447 = arith.index_cast %parallel_loop3A_441 : i32 to index
            %parallel_loop3A_448 = arith.index_cast %parallel_loop3A_334 : i32 to index
            %parallel_loop3A_449 = arith.constant 64 : index
            %parallel_loop3A_450 = tpu.vector_load %parallel_loop3A_446[%parallel_loop3A_447, %parallel_loop3A_448, %parallel_loop3A_449] {strides = array<i32>} : memref<1x125x128xf32, #tpu.memory_space<vmem>>, vector<16xf32>,
            tpu.vector_store %parallel_loop3A_446[%parallel_loop3A_447, %parallel_loop3A_448, %parallel_loop3A_449], %parallel_loop3A_439 {strides = array<i32>} : memref<1x125x128xf32, #tpu.memory_space<vmem>>, vector<16xf32>,
            %parallel_loop3A_451 = arith.constant 0 : i32
            %parallel_loop3A_452 = arith.constant 0 : i32
            %parallel_loop3A_453 = arith.constant 0 : i32
            %parallel_loop3A_454 = arith.constant 0 : i32
            %parallel_loop3A_455 = tpu.memref_slice %run_scoped3A_18[%rem3A_244, %parallel_loop3A_452, %parallel_loop3A_453, %parallel_loop3A_454] : memref<2x1x125x128xf32, #tpu.memory_space<vmem>> -> memref<1x1x125x128xf32, #tpu.memory_space<vmem>>
            %parallel_loop3A_456 = tpu.memref_squeeze %parallel_loop3A_455 : memref<1x1x125x128xf32, #tpu.memory_space<vmem>> -> memref<1x125x128xf32, #tpu.memory_space<vmem>>
            %parallel_loop3A_457 = arith.index_cast %parallel_loop3A_451 : i32 to index
            %parallel_loop3A_458 = arith.index_cast %parallel_loop3A_334 : i32 to index
            %parallel_loop3A_459 = arith.constant 80 : index
            %parallel_loop3A_460 = tpu.vector_load %parallel_loop3A_456[%parallel_loop3A_457, %parallel_loop3A_458, %parallel_loop3A_459] {strides = array<i32>} : memref<1x125x128xf32, #tpu.memory_space<vmem>>, vector<16xf32>,
            tpu.vector_store %parallel_loop3A_456[%parallel_loop3A_457, %parallel_loop3A_458, %parallel_loop3A_459], %parallel_loop3A_440 {strides = array<i32>} : memref<1x125x128xf32, #tpu.memory_space<vmem>>, vector<16xf32>,
            %parallel_loop3A_461 = arith.constant 0 : i32
            %parallel_loop3A_462 = arith.constant 0 : i32
            %parallel_loop3A_463 = arith.constant 0 : i32
            %parallel_loop3A_464 = arith.constant 0 : i32
            %parallel_loop3A_465 = tpu.memref_slice %run_scoped3A[%rem3A_242, %parallel_loop3A_462, %parallel_loop3A_463, %parallel_loop3A_464] : memref<2x1x125x128xi32, #tpu.memory_space<vmem>> -> memref<1x1x125x128xi32, #tpu.memory_space<vmem>>
            %parallel_loop3A_466 = tpu.memref_squeeze %parallel_loop3A_465 : memref<1x1x125x128xi32, #tpu.memory_space<vmem>> -> memref<1x125x128xi32, #tpu.memory_space<vmem>>
            %parallel_loop3A_467 = arith.index_cast %parallel_loop3A_461 : i32 to index
            %parallel_loop3A_468 = arith.index_cast %parallel_loop3A_334 : i32 to index
            %parallel_loop3A_469 = arith.constant 96 : index
            %parallel_loop3A_470 = tpu.vector_load %parallel_loop3A_466[%parallel_loop3A_467, %parallel_loop3A_468, %parallel_loop3A_469] {strides = array<i32>} : memref<1x125x128xi32, #tpu.memory_space<vmem>>, vector<16xi32>,
            %parallel_loop3A_471 = arith.constant 0 : i32
            %parallel_loop3A_472 = arith.constant 0 : i32
            %parallel_loop3A_473 = arith.constant 0 : i32
            %parallel_loop3A_474 = arith.constant 0 : i32
            %parallel_loop3A_475 = tpu.memref_slice %run_scoped3A[%rem3A_242, %parallel_loop3A_472, %parallel_loop3A_473, %parallel_loop3A_474] : memref<2x1x125x128xi32, #tpu.memory_space<vmem>> -> memref<1x1x125x128xi32, #tpu.memory_space<vmem>>
            %parallel_loop3A_476 = tpu.memref_squeeze %parallel_loop3A_475 : memref<1x1x125x128xi32, #tpu.memory_space<vmem>> -> memref<1x125x128xi32, #tpu.memory_space<vmem>>
            %parallel_loop3A_477 = arith.index_cast %parallel_loop3A_471 : i32 to index
            %parallel_loop3A_478 = arith.index_cast %parallel_loop3A_334 : i32 to index
            %parallel_loop3A_479 = arith.constant 112 : index
            %parallel_loop3A_480 = tpu.vector_load %parallel_loop3A_476[%parallel_loop3A_477, %parallel_loop3A_478, %parallel_loop3A_479] {strides = array<i32>} : memref<1x125x128xi32, #tpu.memory_space<vmem>>, vector<16xi32>,
            %parallel_loop3A_481 = tpu.vector_load_idx %arg5[%parallel_loop3A_470] : memref<10016xf32, #tpu.memory_space<vmem>>[vector<16xi32>], vector<16xf32>,
            %parallel_loop3A_482 = tpu.vector_load_idx %arg5[%parallel_loop3A_480] : memref<10016xf32, #tpu.memory_space<vmem>>[vector<16xi32>], vector<16xf32>,
            %parallel_loop3A_483 = arith.constant 0 : i32
            %parallel_loop3A_484 = arith.constant 0 : i32
            %parallel_loop3A_485 = arith.constant 0 : i32
            %parallel_loop3A_486 = arith.constant 0 : i32
            %parallel_loop3A_487 = tpu.memref_slice %run_scoped3A_18[%rem3A_244, %parallel_loop3A_484, %parallel_loop3A_485, %parallel_loop3A_486] : memref<2x1x125x128xf32, #tpu.memory_space<vmem>> -> memref<1x1x125x128xf32, #tpu.memory_space<vmem>>
            %parallel_loop3A_488 = tpu.memref_squeeze %parallel_loop3A_487 : memref<1x1x125x128xf32, #tpu.memory_space<vmem>> -> memref<1x125x128xf32, #tpu.memory_space<vmem>>
            %parallel_loop3A_489 = arith.index_cast %parallel_loop3A_483 : i32 to index
            %parallel_loop3A_490 = arith.index_cast %parallel_loop3A_334 : i32 to index
            %parallel_loop3A_491 = arith.constant 96 : index
            %parallel_loop3A_492 = tpu.vector_load %parallel_loop3A_488[%parallel_loop3A_489, %parallel_loop3A_490, %parallel_loop3A_491] {strides = array<i32>} : memref<1x125x128xf32, #tpu.memory_space<vmem>>, vector<16xf32>,
            tpu.vector_store %parallel_loop3A_488[%parallel_loop3A_489, %parallel_loop3A_490, %parallel_loop3A_491], %parallel_loop3A_481 {strides = array<i32>} : memref<1x125x128xf32, #tpu.memory_space<vmem>>, vector<16xf32>,
            %parallel_loop3A_493 = arith.constant 0 : i32
            %parallel_loop3A_494 = arith.constant 0 : i32
            %parallel_loop3A_495 = arith.constant 0 : i32
            %parallel_loop3A_496 = arith.constant 0 : i32
            %parallel_loop3A_497 = tpu.memref_slice %run_scoped3A_18[%rem3A_244, %parallel_loop3A_494, %parallel_loop3A_495, %parallel_loop3A_496] : memref<2x1x125x128xf32, #tpu.memory_space<vmem>> -> memref<1x1x125x128xf32, #tpu.memory_space<vmem>>
            %parallel_loop3A_498 = tpu.memref_squeeze %parallel_loop3A_497 : memref<1x1x125x128xf32, #tpu.memory_space<vmem>> -> memref<1x125x128xf32, #tpu.memory_space<vmem>>
            %parallel_loop3A_499 = arith.index_cast %parallel_loop3A_493 : i32 to index
            %parallel_loop3A_500 = arith.index_cast %parallel_loop3A_334 : i32 to index
            %parallel_loop3A_501 = arith.constant 112 : index
            %parallel_loop3A_502 = tpu.vector_load %parallel_loop3A_498[%parallel_loop3A_499, %parallel_loop3A_500, %parallel_loop3A_501] {strides = array<i32>} : memref<1x125x128xf32, #tpu.memory_space<vmem>>, vector<16xf32>,
            tpu.vector_store %parallel_loop3A_498[%parallel_loop3A_499, %parallel_loop3A_500, %parallel_loop3A_501], %parallel_loop3A_482 {strides = array<i32>} : memref<1x125x128xf32, #tpu.memory_space<vmem>>, vector<16xf32>,
          } {sc.loop_unroll_factor = 2 : i64, sc.parallel_access}
          "tpu.trace_stop"() : () -> ()
          %ne3A_254 = arith.cmpi ne, %add3A_159, %add3A_177 : i32
          %or3A_255 = arith.constant false
          %or3A_256 = arith.ori %or3A_255, %ne3A_254 : i1
          %or3A_257 = arith.constant false
          %or3A_258 = arith.ori %or3A_256, %or3A_257 : i1
          %or3A_259 = arith.constant false
          %or3A_260 = arith.ori %or3A_258, %or3A_259 : i1
          %or3A_261 = arith.ori %or3A_260, %eq3A_158 : i1
          %convert_element_type3A_262 = arith.extui %or3A_261 : i1 to i32
          %cond3A_263 = arith.constant 0 : i32
          %cond3A_264 = arith.cmpi ne, %convert_element_type3A_262, %cond3A_263 : i32
          scf.if %cond3A_264 {
          } else {
          }
          %and3A_265 = arith.constant false
          %and3A_266 = arith.andi %or3A_261, %and3A_265 : i1
          %ne3A_267 = arith.cmpi ne, %add3A_159, %add3A_177 : i32
          %or3A_268 = arith.constant false
          %or3A_269 = arith.ori %or3A_268, %ne3A_267 : i1
          %or3A_270 = arith.constant false
          %or3A_271 = arith.ori %or3A_269, %or3A_270 : i1
          %or3A_272 = arith.constant false
          %or3A_273 = arith.ori %or3A_271, %or3A_272 : i1
          %or3A_274 = arith.ori %or3A_273, %eq3A_158 : i1
          %convert_element_type3A_275 = arith.extui %or3A_274 : i1 to i32
          %cond3A_276 = arith.constant 0 : i32
          %cond3A_277 = arith.cmpi ne, %convert_element_type3A_275, %cond3A_276 : i32
          scf.if %cond3A_277 {
            "tpu.trace_start"() <{level = 10 : i32, message = "ep_copy_out"}> : () -> ()
            %rem3A_334 = arith.constant 2 : i32
            %rem3A_335 = arith.remui %while3A_149, %rem3A_334 : i32
            %mul3A_336 = arith.constant 1 : i32
            %mul3A_337 = arith.muli %mul3A_336, %add3A_159 : i32
            %dma_start3A_338 = arith.constant 0 : i32
            %dma_start3A_339 = arith.constant 0 : i32
            %dma_start3A_340 = arith.constant 0 : i32
            %dma_start3A_341 = tpu.memref_slice %run_scoped3A_18[%rem3A_335, %dma_start3A_338, %dma_start3A_339, %dma_start3A_340] : memref<2x1x125x128xf32, #tpu.memory_space<vmem>> -> memref<1x1x125x128xf32, #tpu.memory_space<vmem>>
            %dma_start3A_342 = tpu.memref_squeeze %dma_start3A_341 : memref<1x1x125x128xf32, #tpu.memory_space<vmem>> -> memref<1x125x128xf32, #tpu.memory_space<vmem>>
            %dma_start3A_343 = arith.constant 0 : i32
            %dma_start3A_344 = arith.constant 0 : i32
            %dma_start3A_345 = tpu.memref_slice %arg4[%mul3A_337, %dma_start3A_343, %dma_start3A_344] : memref<125x125x128xf32, #tpu.memory_space<hbm>> -> memref<1x125x128xf32, #tpu.memory_space<hbm>>
            %dma_start3A_346 = tpu.memref_slice %run_scoped3A_19[%rem3A_335] : memref<2x!tpu.dma_semaphore, #tpu.memory_space<semaphore_mem>> -> memref<1x!tpu.dma_semaphore, #tpu.memory_space<semaphore_mem>>
            %dma_start3A_347 = tpu.memref_squeeze %dma_start3A_346 : memref<1x!tpu.dma_semaphore, #tpu.memory_space<semaphore_mem>> -> memref<!tpu.dma_semaphore, #tpu.memory_space<semaphore_mem>>
            %dma_start3A_348 = arith.constant 0 : i32
            %dma_start3A_349 = arith.constant 0 : i32
            %dma_start3A_350 = tpu.memref_slice %arg4[%mul3A_337, %dma_start3A_348, %dma_start3A_349] : memref<125x125x128xf32, #tpu.memory_space<hbm>> -> memref<1x125x128xf32, #tpu.memory_space<hbm>>
            %dma_start3A_351 = arith.constant 0 : i32
            %dma_start3A_352 = arith.constant 0 : i32
            %dma_start3A_353 = arith.constant 0 : i32
            %dma_start3A_354 = tpu.memref_slice %run_scoped3A_18[%rem3A_335, %dma_start3A_351, %dma_start3A_352, %dma_start3A_353] : memref<2x1x125x128xf32, #tpu.memory_space<vmem>> -> memref<1x1x125x128xf32, #tpu.memory_space<vmem>>
            %dma_start3A_355 = tpu.memref_squeeze %dma_start3A_354 : memref<1x1x125x128xf32, #tpu.memory_space<vmem>> -> memref<1x125x128xf32, #tpu.memory_space<vmem>>
            tpu.enqueue_dma source(%dma_start3A_355 : memref<1x125x128xf32, #tpu.memory_space<vmem>>) target(%dma_start3A_350 : memref<1x125x128xf32, #tpu.memory_space<hbm>>) target_semaphore(%dma_start3A_347 : memref<!tpu.dma_semaphore, #tpu.memory_space<semaphore_mem>>)
            "tpu.trace_stop"() : () -> ()
          } else {
          }
          %and3A_278 = arith.constant true
          %and3A_279 = arith.andi %or3A_274, %and3A_278 : i1
          %add3A_280 = arith.constant 1 : i32
          %add3A_281 = arith.addi %while3A_149, %add3A_280 : i32
          %select_n3A_282 = arith.select %and3A_279, %add3A_281, %while3A_149 : i32
          %ne3A_283 = arith.cmpi ne, %add3A_159, %add3A_169 : i32
          %or3A_284 = arith.constant false
          %or3A_285 = arith.ori %or3A_284, %ne3A_283 : i1
          %or3A_286 = arith.constant false
          %or3A_287 = arith.ori %or3A_285, %or3A_286 : i1
          %or3A_288 = arith.constant false
          %or3A_289 = arith.ori %or3A_287, %or3A_288 : i1
          %not3A_290 = arith.constant true
          %not3A_291 = arith.xori %eq3A_155, %not3A_290 : i1
          %and3A_292 = arith.andi %or3A_289, %not3A_291 : i1
          %convert_element_type3A_293 = arith.extui %and3A_292 : i1 to i32
          %cond3A_294 = arith.constant 0 : i32
          %cond3A_295 = arith.cmpi ne, %convert_element_type3A_293, %cond3A_294 : i32
          scf.if %cond3A_295 {
          } else {
          }
          %and3A_296 = arith.constant false
          %and3A_297 = arith.andi %and3A_292, %and3A_296 : i1
          %ne3A_298 = arith.cmpi ne, %add3A_159, %add3A_169 : i32
          %or3A_299 = arith.constant false
          %or3A_300 = arith.ori %or3A_299, %ne3A_298 : i1
          %or3A_301 = arith.constant false
          %or3A_302 = arith.ori %or3A_300, %or3A_301 : i1
          %or3A_303 = arith.constant false
          %or3A_304 = arith.ori %or3A_302, %or3A_303 : i1
          %not3A_305 = arith.constant true
          %not3A_306 = arith.xori %eq3A_155, %not3A_305 : i1
          %and3A_307 = arith.andi %or3A_304, %not3A_306 : i1
          %convert_element_type3A_308 = arith.extui %and3A_307 : i1 to i32
          %cond3A_309 = arith.constant 0 : i32
          %cond3A_310 = arith.cmpi ne, %convert_element_type3A_308, %cond3A_309 : i32
          scf.if %cond3A_310 {
            "tpu.trace_start"() <{level = 10 : i32, message = "ep_wait_out"}> : () -> ()
            %rem3A_334 = arith.constant 2 : i32
            %rem3A_335 = arith.remui %while3A_150, %rem3A_334 : i32
            %mul3A_336 = arith.constant 1 : i32
            %mul3A_337 = arith.muli %mul3A_336, %add3A_169 : i32
            %dma_wait3A = arith.constant 0 : i32
            %dma_wait3A_338 = arith.constant 0 : i32
            %dma_wait3A_339 = arith.constant 0 : i32
            %dma_wait3A_340 = tpu.memref_slice %run_scoped3A_18[%rem3A_335, %dma_wait3A, %dma_wait3A_338, %dma_wait3A_339] : memref<2x1x125x128xf32, #tpu.memory_space<vmem>> -> memref<1x1x125x128xf32, #tpu.memory_space<vmem>>
            %dma_wait3A_341 = tpu.memref_squeeze %dma_wait3A_340 : memref<1x1x125x128xf32, #tpu.memory_space<vmem>> -> memref<1x125x128xf32, #tpu.memory_space<vmem>>
            %dma_wait3A_342 = arith.constant 0 : i32
            %dma_wait3A_343 = arith.constant 0 : i32
            %dma_wait3A_344 = tpu.memref_slice %arg4[%mul3A_337, %dma_wait3A_342, %dma_wait3A_343] : memref<125x125x128xf32, #tpu.memory_space<hbm>> -> memref<1x125x128xf32, #tpu.memory_space<hbm>>
            %dma_wait3A_345 = tpu.memref_slice %run_scoped3A_19[%rem3A_335] : memref<2x!tpu.dma_semaphore, #tpu.memory_space<semaphore_mem>> -> memref<1x!tpu.dma_semaphore, #tpu.memory_space<semaphore_mem>>
            %dma_wait3A_346 = tpu.memref_squeeze %dma_wait3A_345 : memref<1x!tpu.dma_semaphore, #tpu.memory_space<semaphore_mem>> -> memref<!tpu.dma_semaphore, #tpu.memory_space<semaphore_mem>>
            %dma_wait3A_347 = arith.constant 0 : i32
            %dma_wait3A_348 = arith.constant 0 : i32
            %dma_wait3A_349 = tpu.memref_slice %arg4[%mul3A_337, %dma_wait3A_347, %dma_wait3A_348] : memref<125x125x128xf32, #tpu.memory_space<hbm>> -> memref<1x125x128xf32, #tpu.memory_space<hbm>>
            %dma_wait3A_350 = arith.constant 0 : i32
            %dma_wait3A_351 = arith.constant 0 : i32
            %dma_wait3A_352 = arith.constant 0 : i32
            %dma_wait3A_353 = tpu.memref_slice %run_scoped3A_18[%rem3A_335, %dma_wait3A_350, %dma_wait3A_351, %dma_wait3A_352] : memref<2x1x125x128xf32, #tpu.memory_space<vmem>> -> memref<1x1x125x128xf32, #tpu.memory_space<vmem>>
            %dma_wait3A_354 = tpu.memref_squeeze %dma_wait3A_353 : memref<1x1x125x128xf32, #tpu.memory_space<vmem>> -> memref<1x125x128xf32, #tpu.memory_space<vmem>>
            tpu.wait_dma2 semaphore(%dma_wait3A_346 : memref<!tpu.dma_semaphore, #tpu.memory_space<semaphore_mem>>) src(%dma_wait3A_354 : memref<1x125x128xf32, #tpu.memory_space<vmem>>) dst(%dma_wait3A_349 : memref<1x125x128xf32, #tpu.memory_space<hbm>>)
            "tpu.trace_stop"() : () -> ()
          } else {
          }
          %and3A_311 = arith.constant true
          %and3A_312 = arith.andi %and3A_307, %and3A_311 : i1
          %add3A_313 = arith.constant 1 : i32
          %add3A_314 = arith.addi %while3A_150, %add3A_313 : i32
          %select_n3A_315 = arith.select %and3A_312, %add3A_314, %while3A_150 : i32
          %ne3A_316 = arith.cmpi ne, %add3A_159, %add3A_177 : i32
          %or3A_317 = arith.constant false
          %or3A_318 = arith.ori %or3A_317, %ne3A_316 : i1
          %or3A_319 = arith.constant false
          %or3A_320 = arith.ori %or3A_318, %or3A_319 : i1
          %or3A_321 = arith.constant false
          %or3A_322 = arith.ori %or3A_320, %or3A_321 : i1
          %or3A_323 = arith.ori %or3A_322, %eq3A_158 : i1
          %add3A_324 = arith.constant 1 : i32
          %add3A_325 = arith.addi %while3A_148, %add3A_324 : i32
          %select_n3A_326 = arith.select %or3A_323, %add3A_325, %while3A_148 : i32
          %add3A_327 = arith.constant 1 : i32
          %add3A_328 = arith.addi %while3A_151, %add3A_327 : i32
          %select_n3A_329 = arith.constant true
          %select_n3A_330 = arith.select %select_n3A_329, %add3A_328, %while3A_151 : i32
          %eq3A_331 = arith.cmpi eq, %select_n3A_330, %select_n3A : i32
          %select_n3A_332 = arith.constant 0 : i32
          %select_n3A_333 = arith.select %eq3A_331, %select_n3A_332, %select_n3A_330 : i32
          scf.yield %select_n3A_203, %select_n3A_326, %select_n3A_282, %select_n3A_315, %select_n3A_333 : i32, i32, i32, i32, i32
        }
        %sub3A_95 = arith.constant 1 : i32
        %sub3A_96 = arith.subi %while3A_94#4, %sub3A_95 : i32
        %select_n3A_97 = arith.constant true
        %select_n3A_98 = arith.select %select_n3A_97, %sub3A_96, %while3A_94#4 : i32
        %eq3A_99 = arith.constant -1 : i32
        %eq3A_100 = arith.cmpi eq, %select_n3A_98, %eq3A_99 : i32
        %sub3A_101 = arith.constant 1 : i32
        %sub3A_102 = arith.subi %select_n3A, %sub3A_101 : i32
        %select_n3A_103 = arith.select %eq3A_100, %sub3A_102, %select_n3A_98 : i32
        %sub3A_104 = arith.constant 1 : i32
        %sub3A_105 = arith.subi %mul3A_16, %sub3A_104 : i32
        %mul3A_106 = arith.constant 1 : i32
        %mul3A_107 = arith.muli %mul3A_106, %select_n3A : i32
        %eq3A_108 = arith.constant 0 : i32
        %eq3A_109 = arith.cmpi eq, %sub3A_105, %eq3A_108 : i32
        %sub3A_110 = arith.constant 1 : i32
        %sub3A_111 = arith.subi %mul3A_107, %sub3A_110 : i32
        %eq3A_112 = arith.cmpi eq, %sub3A_105, %sub3A_111 : i32
        %add3A_113 = arith.addi %select_n3A_103, %select_n3A_14 : i32
        %sub3A_114 = arith.constant 1 : i32
        %sub3A_115 = arith.subi %select_n3A_103, %sub3A_114 : i32
        %select_n3A_116 = arith.constant true
        %select_n3A_117 = arith.select %select_n3A_116, %sub3A_115, %select_n3A_103 : i32
        %eq3A_118 = arith.constant -1 : i32
        %eq3A_119 = arith.cmpi eq, %select_n3A_117, %eq3A_118 : i32
        %sub3A_120 = arith.constant 1 : i32
        %sub3A_121 = arith.subi %select_n3A, %sub3A_120 : i32
        %select_n3A_122 = arith.select %eq3A_119, %sub3A_121, %select_n3A_117 : i32
        %add3A_123 = arith.addi %select_n3A_122, %select_n3A_14 : i32
        %add3A_124 = arith.constant 1 : i32
        %add3A_125 = arith.addi %select_n3A_103, %add3A_124 : i32
        %select_n3A_126 = arith.constant true
        %select_n3A_127 = arith.select %select_n3A_126, %add3A_125, %select_n3A_103 : i32
        %eq3A_128 = arith.cmpi eq, %select_n3A_127, %select_n3A : i32
        %select_n3A_129 = arith.constant 0 : i32
        %select_n3A_130 = arith.select %eq3A_128, %select_n3A_129, %select_n3A_127 : i32
        %add3A_131 = arith.addi %select_n3A_130, %select_n3A_14 : i32
        %add3A_132 = arith.constant 1 : i32
        %add3A_133 = arith.addi %select_n3A_130, %add3A_132 : i32
        %select_n3A_134 = arith.constant true
        %select_n3A_135 = arith.select %select_n3A_134, %add3A_133, %select_n3A_130 : i32
        %eq3A_136 = arith.cmpi eq, %select_n3A_135, %select_n3A : i32
        %select_n3A_137 = arith.constant 0 : i32
        %select_n3A_138 = arith.select %eq3A_136, %select_n3A_137, %select_n3A_135 : i32
        %add3A_139 = arith.addi %select_n3A_138, %select_n3A_14 : i32
        %convert_element_type3A_140 = arith.extui %eq3A_112 : i1 to i32
        %cond3A_141 = arith.constant 0 : i32
        %cond3A_142 = arith.cmpi ne, %convert_element_type3A_140, %cond3A_141 : i32
        scf.if %cond3A_142 {
        } else {
        }
        %convert_element_type3A_143 = arith.extui %eq3A_112 : i1 to i32
        %cond3A_144 = arith.constant 0 : i32
        %cond3A_145 = arith.cmpi ne, %convert_element_type3A_143, %cond3A_144 : i32
        scf.if %cond3A_145 {
          "tpu.trace_start"() <{level = 10 : i32, message = "ep_finalize"}> : () -> ()
          %rem3A_146 = arith.constant 2 : i32
          %rem3A_147 = arith.remui %while3A_94#3, %rem3A_146 : i32
          %mul3A_148 = arith.constant 1 : i32
          %mul3A_149 = arith.muli %mul3A_148, %add3A_113 : i32
          %dma_wait3A = arith.constant 0 : i32
          %dma_wait3A_150 = arith.constant 0 : i32
          %dma_wait3A_151 = arith.constant 0 : i32
          %dma_wait3A_152 = tpu.memref_slice %run_scoped3A_18[%rem3A_147, %dma_wait3A, %dma_wait3A_150, %dma_wait3A_151] : memref<2x1x125x128xf32, #tpu.memory_space<vmem>> -> memref<1x1x125x128xf32, #tpu.memory_space<vmem>>
          %dma_wait3A_153 = tpu.memref_squeeze %dma_wait3A_152 : memref<1x1x125x128xf32, #tpu.memory_space<vmem>> -> memref<1x125x128xf32, #tpu.memory_space<vmem>>
          %dma_wait3A_154 = arith.constant 0 : i32
          %dma_wait3A_155 = arith.constant 0 : i32
          %dma_wait3A_156 = tpu.memref_slice %arg4[%mul3A_149, %dma_wait3A_154, %dma_wait3A_155] : memref<125x125x128xf32, #tpu.memory_space<hbm>> -> memref<1x125x128xf32, #tpu.memory_space<hbm>>
          %dma_wait3A_157 = tpu.memref_slice %run_scoped3A_19[%rem3A_147] : memref<2x!tpu.dma_semaphore, #tpu.memory_space<semaphore_mem>> -> memref<1x!tpu.dma_semaphore, #tpu.memory_space<semaphore_mem>>
          %dma_wait3A_158 = tpu.memref_squeeze %dma_wait3A_157 : memref<1x!tpu.dma_semaphore, #tpu.memory_space<semaphore_mem>> -> memref<!tpu.dma_semaphore, #tpu.memory_space<semaphore_mem>>
          %dma_wait3A_159 = arith.constant 0 : i32
          %dma_wait3A_160 = arith.constant 0 : i32
          %dma_wait3A_161 = tpu.memref_slice %arg4[%mul3A_149, %dma_wait3A_159, %dma_wait3A_160] : memref<125x125x128xf32, #tpu.memory_space<hbm>> -> memref<1x125x128xf32, #tpu.memory_space<hbm>>
          %dma_wait3A_162 = arith.constant 0 : i32
          %dma_wait3A_163 = arith.constant 0 : i32
          %dma_wait3A_164 = arith.constant 0 : i32
          %dma_wait3A_165 = tpu.memref_slice %run_scoped3A_18[%rem3A_147, %dma_wait3A_162, %dma_wait3A_163, %dma_wait3A_164] : memref<2x1x125x128xf32, #tpu.memory_space<vmem>> -> memref<1x1x125x128xf32, #tpu.memory_space<vmem>>
          %dma_wait3A_166 = tpu.memref_squeeze %dma_wait3A_165 : memref<1x1x125x128xf32, #tpu.memory_space<vmem>> -> memref<1x125x128xf32, #tpu.memory_space<vmem>>
          tpu.wait_dma2 semaphore(%dma_wait3A_158 : memref<!tpu.dma_semaphore, #tpu.memory_space<semaphore_mem>>) src(%dma_wait3A_166 : memref<1x125x128xf32, #tpu.memory_space<vmem>>) dst(%dma_wait3A_161 : memref<1x125x128xf32, #tpu.memory_space<hbm>>)
          "tpu.trace_stop"() : () -> ()
        } else {
        }
      } else {
      }
      tpu.yield
    }) : () -> ()
    return
  }
}

module attributes {stable_mosaic.version = 14 : i64} {
  func.func @_tc_body(%arg0: i32, %arg1: memref<1x3125x128xi32, #tpu.memory_space<vmem>>, %arg2: memref<1x3125x128xf32, #tpu.memory_space<vmem>>, %arg3: memref<1x3125x128xf32, #tpu.memory_space<vmem>>, %arg4: memref<1x3125x128xf32, #tpu.memory_space<vmem>>, %arg5: memref<1x3125x128xf32, #tpu.memory_space<vmem>>, %arg6: memref<1x128xf32, #tpu.memory_space<vmem>>, %arg7: memref<1x128xf32, #tpu.memory_space<vmem>>, %arg8: memref<1x128xf32, #tpu.memory_space<vmem>>, %arg9: memref<1x128xf32, #tpu.memory_space<vmem>>, %arg10: memref<1x128xf32, #tpu.memory_space<vmem>>, %arg11: memref<1x3125x128xf32, #tpu.memory_space<vmem>>) attributes {dimension_semantics = [#tpu.dimension_semantics<arbitrary>], iteration_bounds = array<i64: 5>, scalar_prefetch = 0 : i64, scratch_operands = 0 : i64, tpu.core_type = #tpu.core_type<tc>, window_params = [{transform_indices = @transform_0, window_bounds = array<i64: 1, 3125, 128>}, {transform_indices = @transform_1, window_bounds = array<i64: 1, 3125, 128>}, {transform_indices = @transform_2, window_bounds = array<i64: 1, 3125, 128>}, {transform_indices = @transform_3, window_bounds = array<i64: 1, 3125, 128>}, {transform_indices = @transform_4, window_bounds = array<i64: 1, 3125, 128>}, {pipeline_mode = #tpu.pipeline_mode<synchronous>, transform_indices = @transform_5, window_bounds = array<i64: 1, 128>}, {pipeline_mode = #tpu.pipeline_mode<synchronous>, transform_indices = @transform_6, window_bounds = array<i64: 1, 128>}, {pipeline_mode = #tpu.pipeline_mode<synchronous>, transform_indices = @transform_7, window_bounds = array<i64: 1, 128>}, {pipeline_mode = #tpu.pipeline_mode<synchronous>, transform_indices = @transform_8, window_bounds = array<i64: 1, 128>}, {pipeline_mode = #tpu.pipeline_mode<synchronous>, transform_indices = @transform_9, window_bounds = array<i64: 1, 128>}, {transform_indices = @transform_10, window_bounds = array<i64: 1, 3125, 128>}]} {
    %get3A = arith.constant 0 : index
    %get3A_0 = arith.constant 0 : index
    %get3A_1 = arith.constant 0 : index
    %get3A_2 = vector.load %arg1[%get3A, %get3A_0, %get3A_1] : memref<1x3125x128xi32, #tpu.memory_space<vmem>>, vector<1x3125x128xi32>
    %get3A_3 = vector.shape_cast %get3A_2 : vector<1x3125x128xi32> to vector<3125x128xi32>
    %sub3A = arith.constant 1 : i32
    %sub3A_4 = vector.broadcast %sub3A : i32 to vector<3125x128xi32>
    %sub3A_5 = arith.subi %get3A_3, %sub3A_4 : vector<3125x128xi32>
    %get3A_6 = arith.constant 0 : index
    %get3A_7 = arith.constant 0 : index
    %get3A_8 = vector.load %arg6[%get3A_6, %get3A_7] : memref<1x128xf32, #tpu.memory_space<vmem>>, vector<1x128xf32>
    %broadcast_in_dim3A = vector.shape_cast %get3A_8 : vector<1x128xf32> to vector<1x128xf32>
    %broadcast_in_dim3A_9 = vector.broadcast %broadcast_in_dim3A : vector<1x128xf32> to vector<3125x128xf32>
    %reshape3A = vector.shape_cast %sub3A_5 : vector<3125x128xi32> to vector<3125x128x1xi32>
    %gather3A = vector.shape_cast %reshape3A : vector<3125x128x1xi32> to vector<3125x128xi32>
    %gather3A_10 = tpu.dynamic_gather %broadcast_in_dim3A_9[%gather3A] in [1] : vector<3125x128xf32>, vector<3125x128xi32> -> vector<3125x128xf32>
    %get3A_11 = arith.constant 0 : index
    %get3A_12 = arith.constant 0 : index
    %get3A_13 = vector.load %arg7[%get3A_11, %get3A_12] : memref<1x128xf32, #tpu.memory_space<vmem>>, vector<1x128xf32>
    %broadcast_in_dim3A_14 = vector.shape_cast %get3A_13 : vector<1x128xf32> to vector<1x128xf32>
    %broadcast_in_dim3A_15 = vector.broadcast %broadcast_in_dim3A_14 : vector<1x128xf32> to vector<3125x128xf32>
    %reshape3A_16 = vector.shape_cast %sub3A_5 : vector<3125x128xi32> to vector<3125x128x1xi32>
    %gather3A_17 = vector.shape_cast %reshape3A_16 : vector<3125x128x1xi32> to vector<3125x128xi32>
    %gather3A_18 = tpu.dynamic_gather %broadcast_in_dim3A_15[%gather3A_17] in [1] : vector<3125x128xf32>, vector<3125x128xi32> -> vector<3125x128xf32>
    %get3A_19 = arith.constant 0 : index
    %get3A_20 = arith.constant 0 : index
    %get3A_21 = vector.load %arg8[%get3A_19, %get3A_20] : memref<1x128xf32, #tpu.memory_space<vmem>>, vector<1x128xf32>
    %broadcast_in_dim3A_22 = vector.shape_cast %get3A_21 : vector<1x128xf32> to vector<1x128xf32>
    %broadcast_in_dim3A_23 = vector.broadcast %broadcast_in_dim3A_22 : vector<1x128xf32> to vector<3125x128xf32>
    %reshape3A_24 = vector.shape_cast %sub3A_5 : vector<3125x128xi32> to vector<3125x128x1xi32>
    %gather3A_25 = vector.shape_cast %reshape3A_24 : vector<3125x128x1xi32> to vector<3125x128xi32>
    %gather3A_26 = tpu.dynamic_gather %broadcast_in_dim3A_23[%gather3A_25] in [1] : vector<3125x128xf32>, vector<3125x128xi32> -> vector<3125x128xf32>
    %get3A_27 = arith.constant 0 : index
    %get3A_28 = arith.constant 0 : index
    %get3A_29 = vector.load %arg9[%get3A_27, %get3A_28] : memref<1x128xf32, #tpu.memory_space<vmem>>, vector<1x128xf32>
    %broadcast_in_dim3A_30 = vector.shape_cast %get3A_29 : vector<1x128xf32> to vector<1x128xf32>
    %broadcast_in_dim3A_31 = vector.broadcast %broadcast_in_dim3A_30 : vector<1x128xf32> to vector<3125x128xf32>
    %reshape3A_32 = vector.shape_cast %sub3A_5 : vector<3125x128xi32> to vector<3125x128x1xi32>
    %gather3A_33 = vector.shape_cast %reshape3A_32 : vector<3125x128x1xi32> to vector<3125x128xi32>
    %gather3A_34 = tpu.dynamic_gather %broadcast_in_dim3A_31[%gather3A_33] in [1] : vector<3125x128xf32>, vector<3125x128xi32> -> vector<3125x128xf32>
    %get3A_35 = arith.constant 0 : index
    %get3A_36 = arith.constant 0 : index
    %get3A_37 = vector.load %arg10[%get3A_35, %get3A_36] : memref<1x128xf32, #tpu.memory_space<vmem>>, vector<1x128xf32>
    %broadcast_in_dim3A_38 = vector.shape_cast %get3A_37 : vector<1x128xf32> to vector<1x128xf32>
    %broadcast_in_dim3A_39 = vector.broadcast %broadcast_in_dim3A_38 : vector<1x128xf32> to vector<3125x128xf32>
    %reshape3A_40 = vector.shape_cast %sub3A_5 : vector<3125x128xi32> to vector<3125x128x1xi32>
    %gather3A_41 = vector.shape_cast %reshape3A_40 : vector<3125x128x1xi32> to vector<3125x128xi32>
    %gather3A_42 = tpu.dynamic_gather %broadcast_in_dim3A_39[%gather3A_41] in [1] : vector<3125x128xf32>, vector<3125x128xi32> -> vector<3125x128xf32>
    %get3A_43 = arith.constant 0 : index
    %get3A_44 = arith.constant 0 : index
    %get3A_45 = arith.constant 0 : index
    %get3A_46 = vector.load %arg4[%get3A_43, %get3A_44, %get3A_45] : memref<1x3125x128xf32, #tpu.memory_space<vmem>>, vector<1x3125x128xf32>
    %get3A_47 = vector.shape_cast %get3A_46 : vector<1x3125x128xf32> to vector<3125x128xf32>
    %get3A_48 = arith.constant 0 : index
    %get3A_49 = arith.constant 0 : index
    %get3A_50 = arith.constant 0 : index
    %get3A_51 = vector.load %arg3[%get3A_48, %get3A_49, %get3A_50] : memref<1x3125x128xf32, #tpu.memory_space<vmem>>, vector<1x3125x128xf32>
    %get3A_52 = vector.shape_cast %get3A_51 : vector<1x3125x128xf32> to vector<3125x128xf32>
    %get3A_53 = arith.constant 0 : index
    %get3A_54 = arith.constant 0 : index
    %get3A_55 = arith.constant 0 : index
    %get3A_56 = vector.load %arg2[%get3A_53, %get3A_54, %get3A_55] : memref<1x3125x128xf32, #tpu.memory_space<vmem>>, vector<1x3125x128xf32>
    %get3A_57 = vector.shape_cast %get3A_56 : vector<1x3125x128xf32> to vector<3125x128xf32>
    %get3A_58 = arith.constant 0 : index
    %get3A_59 = arith.constant 0 : index
    %get3A_60 = arith.constant 0 : index
    %get3A_61 = vector.load %arg5[%get3A_58, %get3A_59, %get3A_60] : memref<1x3125x128xf32, #tpu.memory_space<vmem>>, vector<1x3125x128xf32>
    %get3A_62 = vector.shape_cast %get3A_61 : vector<1x3125x128xf32> to vector<3125x128xf32>
    %mul3A = arith.mulf %gather3A_10, %get3A_47 : vector<3125x128xf32>
    %mul3A_63 = arith.mulf %get3A_47, %get3A_47 : vector<3125x128xf32>
    %mul3A_64 = arith.mulf %gather3A_18, %mul3A_63 : vector<3125x128xf32>
    %sub3A_65 = arith.subf %mul3A, %mul3A_64 : vector<3125x128xf32>
    %neg3A = arith.constant 0.000000e+00 : f32
    %neg3A_66 = vector.broadcast %neg3A : f32 to vector<3125x128xf32>
    %neg3A_67 = arith.subf %neg3A_66, %gather3A_26 : vector<3125x128xf32>
    %add3A = arith.constant 2.731500e+02 : f32
    %add3A_68 = vector.broadcast %add3A : f32 to vector<3125x128xf32>
    %add3A_69 = arith.addf %get3A_52, %add3A_68 : vector<3125x128xf32>
    %sub3A_70 = arith.constant 2.271300e+02 : f32
    %sub3A_71 = vector.broadcast %sub3A_70 : f32 to vector<3125x128xf32>
    %sub3A_72 = arith.subf %add3A_69, %sub3A_71 : vector<3125x128xf32>
    %div3A = arith.divf %neg3A_67, %sub3A_72 : vector<3125x128xf32>
    %exp3A = math.exp %div3A : vector<3125x128xf32>
    %mul3A_73 = arith.mulf %get3A_62, %exp3A : vector<3125x128xf32>
    %sub3A_74 = arith.constant 1.000000e+00 : f32
    %sub3A_75 = vector.broadcast %sub3A_74 : f32 to vector<3125x128xf32>
    %sub3A_76 = arith.subf %gather3A_42, %sub3A_75 : vector<3125x128xf32>
    %add3A_77 = arith.addf %get3A_57, %sub3A_76 : vector<3125x128xf32>
    %mul3A_78 = arith.constant 0.0027397261 : f32
    %mul3A_79 = vector.broadcast %mul3A_78 : f32 to vector<3125x128xf32>
    %mul3A_80 = arith.mulf %add3A_77, %mul3A_79 : vector<3125x128xf32>
    %add3A_81 = arith.constant 5.000000e-01 : f32
    %add3A_82 = vector.broadcast %add3A_81 : f32 to vector<3125x128xf32>
    %add3A_83 = arith.addf %mul3A_80, %add3A_82 : vector<3125x128xf32>
    %floor3A = math.floor %add3A_83 : vector<3125x128xf32>
    %sub3A_84 = arith.subf %mul3A_80, %floor3A : vector<3125x128xf32>
    %mul3A_85 = arith.mulf %sub3A_84, %sub3A_84 : vector<3125x128xf32>
    %mul3A_86 = arith.constant -0.615059375 : f32
    %mul3A_87 = vector.broadcast %mul3A_86 : f32 to vector<3125x128xf32>
    %mul3A_88 = arith.mulf %mul3A_87, %mul3A_85 : vector<3125x128xf32>
    %add3A_89 = arith.constant 3.77595711 : f32
    %add3A_90 = vector.broadcast %add3A_89 : f32 to vector<3125x128xf32>
    %add3A_91 = arith.addf %mul3A_88, %add3A_90 : vector<3125x128xf32>
    %mul3A_92 = arith.mulf %add3A_91, %mul3A_85 : vector<3125x128xf32>
    %add3A_93 = arith.constant -15.0845547 : f32
    %add3A_94 = vector.broadcast %add3A_93 : f32 to vector<3125x128xf32>
    %add3A_95 = arith.addf %mul3A_92, %add3A_94 : vector<3125x128xf32>
    %mul3A_96 = arith.mulf %add3A_95, %mul3A_85 : vector<3125x128xf32>
    %add3A_97 = arith.constant 42.0573692 : f32
    %add3A_98 = vector.broadcast %add3A_97 : f32 to vector<3125x128xf32>
    %add3A_99 = arith.addf %mul3A_96, %add3A_98 : vector<3125x128xf32>
    %mul3A_100 = arith.mulf %add3A_99, %mul3A_85 : vector<3125x128xf32>
    %add3A_101 = arith.constant -76.7057571 : f32
    %add3A_102 = vector.broadcast %add3A_101 : f32 to vector<3125x128xf32>
    %add3A_103 = arith.addf %mul3A_100, %add3A_102 : vector<3125x128xf32>
    %mul3A_104 = arith.mulf %add3A_103, %mul3A_85 : vector<3125x128xf32>
    %add3A_105 = arith.constant 81.6052475 : f32
    %add3A_106 = vector.broadcast %add3A_105 : f32 to vector<3125x128xf32>
    %add3A_107 = arith.addf %mul3A_104, %add3A_106 : vector<3125x128xf32>
    %mul3A_108 = arith.mulf %add3A_107, %mul3A_85 : vector<3125x128xf32>
    %add3A_109 = arith.constant -4.134170e+01 : f32
    %add3A_110 = vector.broadcast %add3A_109 : f32 to vector<3125x128xf32>
    %add3A_111 = arith.addf %mul3A_108, %add3A_110 : vector<3125x128xf32>
    %mul3A_112 = arith.mulf %add3A_111, %mul3A_85 : vector<3125x128xf32>
    %add3A_113 = arith.constant 6.28318548 : f32
    %add3A_114 = vector.broadcast %add3A_113 : f32 to vector<3125x128xf32>
    %add3A_115 = arith.addf %mul3A_112, %add3A_114 : vector<3125x128xf32>
    %mul3A_116 = arith.mulf %sub3A_84, %add3A_115 : vector<3125x128xf32>
    %mul3A_117 = arith.mulf %gather3A_34, %mul3A_116 : vector<3125x128xf32>
    %mul3A_118 = arith.mulf %mul3A_73, %sub3A_65 : vector<3125x128xf32>
    %add3A_119 = arith.addf %mul3A_117, %mul3A_118 : vector<3125x128xf32>
    %swap3A = arith.constant 0 : index
    %swap3A_120 = arith.constant 0 : index
    %swap3A_121 = arith.constant 0 : index
    %swap3A_122 = vector.load %arg11[%swap3A, %swap3A_120, %swap3A_121] : memref<1x3125x128xf32, #tpu.memory_space<vmem>>, vector<1x3125x128xf32>
    %swap3A_123 = vector.shape_cast %swap3A_122 : vector<1x3125x128xf32> to vector<3125x128xf32>
    %swap3A_124 = vector.shape_cast %add3A_119 : vector<3125x128xf32> to vector<1x3125x128xf32>
    tpu.vector_store %arg11[%swap3A, %swap3A_120, %swap3A_121], %swap3A_124 {strides = array<i32>} : memref<1x3125x128xf32, #tpu.memory_space<vmem>>, vector<1x3125x128xf32>,
    return
  }
  func.func @transform_0(%arg0: i32) -> (i32, i32, i32) {
    %c0_i32 = arith.constant 0 : i32
    %c0_i32_0 = arith.constant 0 : i32
    %c0_i32_1 = arith.constant 0 : i32
    return %arg0, %c0_i32, %c0_i32_0 : i32, i32, i32
  }
  func.func @transform_1(%arg0: i32) -> (i32, i32, i32) {
    %c0_i32 = arith.constant 0 : i32
    %c0_i32_0 = arith.constant 0 : i32
    %c0_i32_1 = arith.constant 0 : i32
    return %arg0, %c0_i32, %c0_i32_0 : i32, i32, i32
  }
  func.func @transform_2(%arg0: i32) -> (i32, i32, i32) {
    %c0_i32 = arith.constant 0 : i32
    %c0_i32_0 = arith.constant 0 : i32
    %c0_i32_1 = arith.constant 0 : i32
    return %arg0, %c0_i32, %c0_i32_0 : i32, i32, i32
  }
  func.func @transform_3(%arg0: i32) -> (i32, i32, i32) {
    %c0_i32 = arith.constant 0 : i32
    %c0_i32_0 = arith.constant 0 : i32
    %c0_i32_1 = arith.constant 0 : i32
    return %arg0, %c0_i32, %c0_i32_0 : i32, i32, i32
  }
  func.func @transform_4(%arg0: i32) -> (i32, i32, i32) {
    %c0_i32 = arith.constant 0 : i32
    %c0_i32_0 = arith.constant 0 : i32
    %c0_i32_1 = arith.constant 0 : i32
    return %arg0, %c0_i32, %c0_i32_0 : i32, i32, i32
  }
  func.func @transform_5(%arg0: i32) -> (i32, i32) {
    %c0_i32 = arith.constant 0 : i32
    %c0_i32_0 = arith.constant 0 : i32
    %c0_i32_1 = arith.constant 0 : i32
    return %c0_i32, %c0_i32_0 : i32, i32
  }
  func.func @transform_6(%arg0: i32) -> (i32, i32) {
    %c0_i32 = arith.constant 0 : i32
    %c0_i32_0 = arith.constant 0 : i32
    %c0_i32_1 = arith.constant 0 : i32
    return %c0_i32, %c0_i32_0 : i32, i32
  }
  func.func @transform_7(%arg0: i32) -> (i32, i32) {
    %c0_i32 = arith.constant 0 : i32
    %c0_i32_0 = arith.constant 0 : i32
    %c0_i32_1 = arith.constant 0 : i32
    return %c0_i32, %c0_i32_0 : i32, i32
  }
  func.func @transform_8(%arg0: i32) -> (i32, i32) {
    %c0_i32 = arith.constant 0 : i32
    %c0_i32_0 = arith.constant 0 : i32
    %c0_i32_1 = arith.constant 0 : i32
    return %c0_i32, %c0_i32_0 : i32, i32
  }
  func.func @transform_9(%arg0: i32) -> (i32, i32) {
    %c0_i32 = arith.constant 0 : i32
    %c0_i32_0 = arith.constant 0 : i32
    %c0_i32_1 = arith.constant 0 : i32
    return %c0_i32, %c0_i32_0 : i32, i32
  }
  func.func @transform_10(%arg0: i32) -> (i32, i32, i32) {
    %c0_i32 = arith.constant 0 : i32
    %c0_i32_0 = arith.constant 0 : i32
    %c0_i32_1 = arith.constant 0 : i32
    return %arg0, %c0_i32, %c0_i32_0 : i32, i32, i32
  }
}

</mosaic_0001>

<sc_bundles>
// kernel: kernel.4.cloned.1.call-start
scs
__scs_entry_jumppad:
0x0: {  	(pc) =	sbr.rel $0x88, $3  }
0x1: {  	(tag) =	ssettag $0x0;
	lr =	simm.s32 $0x1  }
0x2: {  	[smem:$0x3F96] =	sst lr;
	_ =	strace $0xD0000000  }
0x3: {  	_ = 	snop  }
0x4: {  	_ = 	snop  }
0x5: {  	_ = 	snop  }
0x6: {  	_ = 	snop  }
0x7: {  	_ = 	snop  }
__scs_overlays_trampoline_lowered:
0x8: {  	[smem:$0x3FA5] =	sst s0  }
0x9: {  	[smem:$0x3FA6] =	sst s1  }
0xa: {  	[smem:$0x3FA7] =	sst s2  }
0xb: {  	[smem:$0x3FA8] =	sst s3  }
0xc: {  	[smem:$0x3FA9] =	sst s4  }
0xd: {  	[smem:$0x3FAA] =	sst s5  }
0xe: {  	[smem:$0x3FAB] =	sst s6  }
0xf: {  	[smem:$0x3FAC] =	sst s7  }
0x10: {  	[smem:$0x3FAD] =	sst s8  }
0x11: {  	[smem:$0x3FAE] =	sst s9;
	s0 =	simm.s32 @!p0 $0x0  }
0x12: {  	s1 =	sld [smem:$0x3F94];
	s0 =	simm.s32 @p0 $0x1  }
0x13: {  	[smem:$0x3FAF] =	sst s0;
	s0 =	simm.s32 @!p1 $0x0  }
0x14: {  	s2 =	sld [smem:$0x3F93];
	s0 =	simm.s32 @p1 $0x1  }
0x15: {  	[smem:$0x3FB0] =	sst s0;
	s0 =	simm.s32 @!p2 $0x0  }
0x16: {  	s3 =	sld [smem:$0x3FDB];
	s0 =	simm.s32 @p2 $0x1  }
0x17: {  	s4 =	simm.s32 $0x1BF5;
	[smem:$0x3FB2] =	sst s0  }
0x18: {  	s0 =	sld [smem:$0x3F95];
	_ =	swait.ge [sflag:s4], $0x0  }
0x19: {  	s7 =	sld [smem:$0x3F96]  }
0x1a: {  	s8 =	sadd.s32 $0xFFFFE003, lr  }
0x1b: {  	s9 =	sadd.s32 $0xFFFFFEF7, lr;
	s5 =	simm.s32 $0xFFFFFFFF;
	p2 =	slt.u32 s8, $0xFFFFF086  }
0x1c: {  	p1 =	slt.u32 s9, $0xF7A;
	s5 =	simm.s32 @!p2 $0x0  }
0x1d: {  	s5 =	simm.s32 @p1 $0x1;
	p0 =	seq.s32 s7, s2  }
0x1e: {  	s7 =	smul.u32 @!p0 $0xF7A, s2;
	p2 =	seq.s32 @!p0 s5, $0x0  }
0x1f: {  	s9 =	smul.u32 $0xF7A, s1;
	s8 =	simm.s32 @!p0 $0x1BF5;
	p2 =	por !p2, p0  }
0x20: {  	[sflag:s8] =	ssyncset.s32 @!p0 $0xFFFFF086;
	s6 =	sadd.s32 @!p0 s3, s7;
	s7 =	simm.s32 @!p0 $0x108  }
0x21: {  	s3 =	sadd.s32 s3, s9;
	s6 =	sadd.s32 @!p0 $0x88, s6;
	s7 =	simm.s32 @p2 $0x1082  }
0x22: {  	[simem:s7], [sflag:s8] =	dma.local @!p0 [hbm:s6], $0xF7A  }
0x23: {  	s9 =	sor.u32 $0xD0000000, s2;
	s6 =	simm.s32 $0x108;
	_ =	swait.ge @!p0 [sflag:s8], $0x0  }
0x24: {  	s3 =	sadd.s32 $0x88, s3;
	s6 =	simm.s32 @!p1 $0x1082;
	[sflag:s4] =	ssyncset.s32 $0xFFFFF086  }
0x25: {  	[simem:s6], [sflag:s4] =	dma.local [hbm:s3], $0xF7A  }
0x26: {  	[smem:$0x3F96] =	sst s1;
	(tag) =	ssettag s2;
	_ =	strace s9  }
0x27: {  	s1 =	sld [smem:$0x3FA6]  }
0x28: {  	s2 =	sld [smem:$0x3FA7]  }
0x29: {  	s4 =	sld [smem:$0x3FA9]  }
0x2a: {  	p0 =	seq.s32 s5, $0x0;
	s5 =	sld [smem:$0x3FAA]  }
0x2b: {  	s6 =	sld [smem:$0x3FAB]  }
0x2c: {  	s7 =	sld [smem:$0x3FAC]  }
0x2d: {  	s3 =	simm.s32 $0x108;
	s8 =	sld [smem:$0x3FAD]  }
0x2e: {  	s3 =	simm.s32 @!p0 $0x1082;
	s9 =	sld [smem:$0x3FAE]  }
0x2f: {  	lr =	sadd.s32 s0, s3;
	s0 =	sld [smem:$0x3FA5]  }
0x30: {  	s3 =	sld [smem:$0x3FA8]  }
0x31: {  	[smem:$0x3FB1] =	sst s10  }
0x32: {  	s10 =	sld [smem:$0x3FAF];
	_ =	sdelay $0x3  }
0x33: {  	p0 =	seq.s32 s10, $0x1;
	s10 =	sld [smem:$0x3FB1];
	_ =	sdelay $0x3  }
0x34: {  	[smem:$0x3FB1] =	sst s10  }
0x35: {  	s10 =	sld [smem:$0x3FB0];
	_ =	sdelay $0x3  }
0x36: {  	p1 =	seq.s32 s10, $0x1;
	s10 =	sld [smem:$0x3FB1];
	_ =	sdelay $0x3  }
0x37: {  	[smem:$0x3FB1] =	sst s10  }
0x38: {  	s10 =	sld [smem:$0x3FB2]  }
0x39: {  	_ = 	snop;
	(pc) =	sbr.ind lr, $3  }
0x3a: {  	_ = 	snop  }
0x3b: {  	_ = 	snop  }
0x3c: {  	p2 =	seq.s32 s10, $0x1;
	s10 =	sld [smem:$0x3FB1]  }
0x3d: {  	_ =	shalt  }
0x3e: {  	_ =	shalt  }
0x3f: {  	_ =	shalt  }
0x40: {  	_ =	shalt  }
0x41: {  	_ =	shalt  }
0x42: {  	_ =	shalt  }
0x43: {  	_ =	shalt  }
0x44: {  	_ =	shalt  }
0x45: {  	_ =	shalt  }
0x46: {  	_ =	shalt  }
0x47: {  	_ =	shalt  }
0x48: {  	_ =	shalt  }
0x49: {  	_ =	shalt  }
0x4a: {  	_ =	shalt  }
0x4b: {  	_ =	shalt  }
0x4c: {  	_ =	shalt  }
0x4d: {  	_ =	shalt  }
0x4e: {  	_ =	shalt  }
0x4f: {  	_ =	shalt  }
0x50: {  	_ =	shalt  }
0x51: {  	_ =	shalt  }
0x52: {  	_ =	shalt  }
0x53: {  	_ =	shalt  }
0x54: {  	_ =	shalt  }
0x55: {  	_ =	shalt  }
0x56: {  	_ =	shalt  }
0x57: {  	_ =	shalt  }
0x58: {  	_ =	shalt  }
0x59: {  	_ =	shalt  }
0x5a: {  	_ =	shalt  }
0x5b: {  	_ =	shalt  }
0x5c: {  	_ =	shalt  }
0x5d: {  	_ =	shalt  }
0x5e: {  	_ =	shalt  }
0x5f: {  	_ =	shalt  }
0x60: {  	_ =	shalt  }
0x61: {  	_ =	shalt  }
0x62: {  	_ =	shalt  }
0x63: {  	_ =	shalt  }
0x64: {  	_ =	shalt  }
0x65: {  	_ =	shalt  }
0x66: {  	_ =	shalt  }
0x67: {  	_ =	shalt  }
0x68: {  	_ =	shalt  }
0x69: {  	_ =	shalt  }
0x6a: {  	_ =	shalt  }
0x6b: {  	_ =	shalt  }
0x6c: {  	_ =	shalt  }
0x6d: {  	_ =	shalt  }
0x6e: {  	_ =	shalt  }
0x6f: {  	_ =	shalt  }
0x70: {  	_ =	shalt  }
0x71: {  	_ =	shalt  }
0x72: {  	_ =	shalt  }
0x73: {  	_ =	shalt  }
0x74: {  	_ =	shalt  }
0x75: {  	_ =	shalt  }
0x76: {  	_ =	shalt  }
0x77: {  	_ =	shalt  }
0x78: {  	_ =	shalt  }
0x79: {  	_ =	shalt  }
0x7a: {  	_ =	shalt  }
0x7b: {  	_ =	shalt  }
0x7c: {  	_ =	shalt  }
0x7d: {  	_ =	shalt  }
0x7e: {  	_ =	shalt  }
0x7f: {  	_ =	shalt  }
0x80: {  	_ =	shalt  }
0x81: {  	_ =	shalt  }
0x82: {  	_ =	shalt  }
0x83: {  	_ =	shalt  }
0x84: {  	_ =	shalt  }
0x85: {  	_ =	shalt  }
0x86: {  	_ =	shalt  }
0x87: {  	_ =	shalt  }
.Lfunc_end0:
.L_simem_size_0:
called_computation_lowered:
.L_overlay_start_0:
0x88: {  	s2 =	sld [smem:$0x3FD9]  }
0x89: {  	s3 =	sld [smem:$0x3FFE];
	_ =	sdelay $0x1  }
0x8a: {  	s1 =	srdreg.scid  }
0x8b: {  	s0 =	sand.u32 $0x1, s1  }
0x8c: {  	s17 =	sshll.u32 s0, $0xA;
	s2 =	sadd.s32 s3, s2  }
0x8d: {  	s2 =	sadd.s32 s2, s17  }
0x8e: {  	[smem:$0x3FBD] =	sst s2  }
0x8f: {  	_ = 	snop  }
0x90: {  	s2 =	sld [smem:$0x3FD0];
	(tm) =	ssettm $0x1  }
0x91: {  	s18 =	sld [smem:$0x3FFB];
	_ =	sdelay $0x3  }
0x92: {  	_ =	strace s18  }
0x93: {  	s3 =	sld [smem:$0x3FFC];
	_ =	sdelay $0x3  }
0x94: {  	_ =	strace s3  }
0x95: {  	s3 =	sld [smem:$0x3FFD];
	_ =	sdelay $0x3  }
0x96: {  	_ =	strace s3  }
0x97: {  	_ =	strace $0x8FFFFFFF  }
0x98: {  	s19 =	sld [smem:$0x3FDB];
	_ =	sdelay $0x1  }
0x99: {  	s4 =	simm.s32 $_scs_section_size  }
0x9a: {  	s5 =	simm.s32 $_size__tile_overlayer_lowered;
	s6 =	simm.s32 $_tile_overlayer_lowered  }
0x9b: {  	s22 =	simm.s32 $0x1BFF;
	s21 =	sshll.u32 s6, $0x1;
	s3 =	sadd.s32 s4, s19  }
0x9c: {  	s7 =	simm.s32 $0x0;
	s20 =	sshll.u32 s5, $0x1;
	s5 =	sadd.s32 s21, s3  }
0x9d: {  	[timem:s7], [sflag:s22] =	dma.local [hbm:s5], s20  }
0x9e: {  	_ =	swait.ge [sflag:s22], s20  }
0x9f: {  	s4 =	ssub.s32 $0x0, s20;
	[sflag:s22] =	ssyncset.done $0x0  }
0xa0: {  	[sflag:s22] =	ssyncadd.s32 s4;
	_ =	sdelay $0x1  }
0xa1: {  	s23 =	simm.s32 $0x1B8B  }
0xa2: {  	_ =	swait.ge [sflag:s23], $0x1  }
0xa3: {  	[sflag:s23] =	ssyncset.done $0x0  }
0xa4: {  	s25 =	simm.s32 $0x1B8E;
	s24 =	sld [smem:$0x3FFE];
	[sflag:s23] =	ssyncadd.s32 $0xFFFFFFFF  }
0xa5: {  	s26 =	simm.s32 $execute0_lowered;
	[smem:$0x3FD2] =	sst s25  }
0xa6: {  	s5 =	sshll.u32 s26, $0x1;
	_ =	strace $0x80000046;
	[dreg:$0x1] =	wrdreg $0xFFFFFFFF  }
0xa7: {  	s28 =	simm.s32 $_size_execute0_lowered;
	s3 =	sadd.s32 s3, s5;
	[dreg:$0x0] =	wrdreg $0x0  }
0xa8: {  	s5 =	sshll.u32 s28, $0x1;
	[dreg:$0x2] =	wrdreg s3  }
0xa9: {  	[dreg:$0x3] =	wrdreg s5  }
0xaa: {  	[dreg:$0x4] =	wrdreg $0xC0  }
0xab: {  	_ =	task [dreg:s7], $0x5FFFF  }
0xac: {  	[dreg:$0x1] =	wrdreg $0xFFFFFFFF  }
0xad: {  	[dreg:$0x0] =	wrdreg $0x60  }
0xae: {  	[dreg:$0x2] =	wrdreg s2  }
0xaf: {  	[dreg:$0x3] =	wrdreg s24  }
0xb0: {  	[dreg:$0x4] =	wrdreg $0x9  }
0xb1: {  	_ =	task.clear_ibuf [dreg:s7], $0x5FFFF;
	_ =	strace $0x90000046  }
0xb2: {  	s29 =	simm.s32 $0x9;
	_ =	strace $0x8000004F  }
0xb3: {  	_ =	swait.ge [sflag:s29], $0x1  }
0xb4: {  	[sflag:s29] =	ssyncadd.s32 $0xFFFFFFFF  }
0xb5: {  	_ =	strace $0x9000004F  }
0xb6: {  	_ =	sfence  }
0xb7: {  	s30 =	sld [smem:$0x0];
	_ =	sdelay $0x2  }
0xb8: {  	s31 =	sshll.u32 s1, $0xD;
	s1 =	sshrl.u32 s1, $0x2  }
0xb9: {  	s3 =	sand.u32 $0x4000, s31;
	s1 =	sadd.s32 s1, s30  }
0xba: {  	s0 =	sor.u32 s3, s0;
	s1 =	sshll.u32 s1, $0x11  }
0xbb: {  	s0 =	sor.u32 s1, s0  }
0xbc: {  	s0 =	sadd.s32 $0x8F2B, s0  }
0xbd: {  	[sflag:s0] =	ssyncadd.remote.s32 $0x1  }
0xbe: {  	_ =	sfence.sel $0xFFFF  }
0xbf: {  	[dreg:$0x0] =	wrdreg $0xFFFFFFFF;
	(pc) =	sbr.abs _section_cstart, $3  }
0xc0: {  	[dreg:$0x1] =	wrdreg $0xFFFFFFFF  }
0xc1: {  	_ =	task.clear_ibuf [dreg:s7], $0x2FFFF;
	_ =	strace $0x9FFFFFFF  }
0xc2: {  	(tm) =	ssettm $0x7FFFFFFF  }
0xc3: {  	_ =	shalt  }
tec
execute0_lowered:
.L_overlay_start_1:
0x0: {  	(tag) =	ssettag $0x1  }
0x1: {  	s0 =	srdreg.scid;
	s2 =	rddreg [dreg:$0x0]  }
0x2: {  	s6 =	rddreg [dreg:$0x1];
	s7 =	sand.u32 $0x1, s0  }
0x3: {  	s1 =	stileid.u32;
	s3 =	simm.s32 $0x0;
	s4 =	sshll.u32 s7, $0x4  }
0x4: {  	s12 =	simm.s32 $0x1;
	s0 =	rddreg [dreg:$0x2];
	s5 =	sor.u32 s1, s4  }
0x5: {  	s13 =	simm.s32 $0x0;
	[smem:$0x7FF] =	sst s3;
	s8 =	smul.u32 $0x3, s5  }
0x6: {  	_ =	strace $0x80000047;
	s29 =	ssub.s32 $0x2, s7;
	s7 =	simm.s32 $0x4  }
0x7: {  	p0 =	slt.u32 s5, $0x1D;
	s9 =	sshll.u32 s5, $0x2;
	s5 =	sadd.s32 $0x1D, s8  }
0x8: {  	s4 =	sadd.s32 $0x2C00, s6;
	s6 =	sadd.s32 $0x41400, s6;
	s5 =	smov.u32 @p0 s9  }
0x9: {  	s30 =	sshrl.u32 s29, $0x1;
	s7 =	simm.s32 @!p0 $0x3;
	s10 =	sshll.u32 s5, $0xB  }
0xa: {  	s11 =	ssub.s32 s29, s30;
	s9 =	sadd.s32 $0xFFFFFFFF, s7;
	s31 =	sand.u32 $0x1FFFF800, s10  }
0xb: {  	s10 =	smax.u32 s11, $0x1;
	s11 =	simm.s32 $0x2780;
	s8 =	sadd.s32 s4, s31  }
.LBB2_1:
0xc: {  	[tilespmem:s3], [sflag:$0x1] =	stream.linear.gather [hbm4b:s2+s3], $0x2780, $0x38;
	[tilespmem:$0x12180] =	vst v63  }
0xd: {  	_ =	swait.ge [sflag:s12], $0x2780  }
0xe: {  	[sflag:s12] =	ssyncset.done $0x0  }
0xf: {  	s15 =	simm.s32 $0x0;
	s14 =	simm.s32 $0x0;
	[sflag:s12] =	ssyncadd.s32 $0xFFFFD880  }
0x10: {  	s16 =	simm.s32 $0x0;
	s17 =	simm.s32 $0x0;
	_ =	strace $0x80000048  }
0x11: {  	[tilespmem:s11], [sflag:$0x1] =	stream.linear.gather [hbm4b:s8+s3], $0x3E80, $0x200038;
	[tilespmem:$0x12180] =	vst v63  }
0x12: {  	s18 =	simm.s32 $0x1;
	s19 =	simm.s32 $0x0;
	_ =	strace $0x90000048  }
.LBB2_2:
0x13: {  	s24 =	smov.u32 s15;
	s15 =	sadd.s32 $0x1, s15  }
0x14: {  	p0 =	seq.s32 s15, s7  }
0x15: {  	s15 =	simm.s32 @p0 $0x0  }
0x16: {  	p6 =	slt.s32 s19, s9;
	p1 =	sne.s32 s24, s15  }
0x17: {  	p0 =	por !p6, !p1  }
0x18: {  	p0 =	por !p0, !p0  }
0x19: {  	s20 =	sand.u32 @p0 $0x1, s18  }
0x1a: {  	s22 =	sadd.s32 @p0 s5, s15;
	s21 =	smul.u32 @p0 $0xFA00, s20  }
0x1b: {  	_ =	strace @p0 $0x80000049;
	s22 =	sshll.u32 @p0 s22, $0xB  }
0x1c: {  	s23 =	simm.s32 @p0 $0x0;
	s22 =	sand.u32 @p0 $0x1FFFF800, s22;
	s21 =	sshrl.u32 @p0 s21, $0x2  }
0x1d: {  	s20 =	sadd.s32 @p0 $0x1, s20;
	s22 =	sadd.s32 @p0 s4, s22;
	s21 =	sadd.s32 @p0 $0x2780, s21  }
0x1e: {  	[tilespmem:s21], [sflag:s20] =	stream.linear.gather @p0 [hbm4b:s22+s23], $0x3E80, $0x200038;
	[tilespmem:$0x12180] =	vst v63  }
0x1f: {  	s23 =	sand.u32 $0x1, s17;
	_ =	strace @p0 $0x90000049  }
0x20: {  	s25 =	sadd.s32 $0x1, s23;
	_ =	strace $0x8000004A  }
0x21: {  	_ =	swait.ge [sflag:s25], $0x3E80  }
0x22: {  	s20 =	smul.u32 $0xFA00, s23;
	[sflag:s25] =	ssyncset.done $0x0  }
0x23: {  	[sflag:s25] =	ssyncadd.s32 $0xFFFFC180  }
0x24: {  	s21 =	sshrl.u32 s20, $0x2;
	_ =	strace $0x9000004A  }
0x25: {  	s25 =	sadd.s32 $0x2800, s21;
	_ =	strace $0x8000004B  }
0x26: {  	v0 =	vld [tilespmem:s25+$0x0]  }
0x27: {  	v1 =	vld [tilespmem:s25+$0x10]  }
0x28: {  	v2 =	vld [tilespmem:s25+$0xFFFFFF90]  }
0x29: {  	v3 =	vld [tilespmem:s25+$0xFFFFFF80];
	_ =	sdelay $0x4  }
0x2a: {  	s20 =	sand.u32 $0x1, s16;
	v0 =	vld.idx.msk [tilespmem:v0+s3+$0x0], $0xffff  }
0x2b: {  	s26 =	smul.u32 $0xFA00, s20;
	v1 =	vld.idx.msk [tilespmem:v1+s3+$0x0], $0xffff  }
0x2c: {  	v2 =	vld.idx.msk [tilespmem:v2+s3+$0x0], $0xffff  }
0x2d: {  	s22 =	sshrl.u32 s26, $0x2;
	v3 =	vld.idx.msk [tilespmem:v3+s3+$0x0], $0xffff  }
0x2e: {  	s23 =	sadd.s32 $0xA500, s22  }
0x2f: {  	[tilespmem:s23+$0x0] =	vst v0  }
0x30: {  	[tilespmem:s23+$0x10] =	vst v1  }
0x31: {  	[tilespmem:s23+$0xFFFFFF90] =	vst v2;
	v0 =	vld [tilespmem:s25+$0x20]  }
0x32: {  	[tilespmem:s23+$0xFFFFFF80] =	vst v3;
	v1 =	vld [tilespmem:s25+$0x30]  }
0x33: {  	v2 =	vld [tilespmem:s25+$0xFFFFFFA0]  }
0x34: {  	v3 =	vld [tilespmem:s25+$0xFFFFFFB0];
	_ =	sdelay $0x4  }
0x35: {  	v0 =	vld.idx.msk [tilespmem:v0+s3+$0x0], $0xffff  }
0x36: {  	v1 =	vld.idx.msk [tilespmem:v1+s3+$0x0], $0xffff  }
0x37: {  	v2 =	vld.idx.msk [tilespmem:v2+s3+$0x0], $0xffff  }
0x38: {  	s26 =	sadd.s32 $0x100, s25;
	v3 =	vld.idx.msk [tilespmem:v3+s3+$0x0], $0xffff  }
0x39: {  	v4 =	vld [tilespmem:s26+$0x0]  }
0x3a: {  	[tilespmem:s23+$0x20] =	vst v0  }
0x3b: {  	v0 =	vld [tilespmem:s26+$0x10];
	[tilespmem:s23+$0x30] =	vst v1  }
0x3c: {  	[tilespmem:s23+$0xFFFFFFA0] =	vst v2;
	v2 =	vld [tilespmem:s26+$0xFFFFFF90]  }
0x3d: {  	[tilespmem:s23+$0xFFFFFFB0] =	vst v3;
	v3 =	vld [tilespmem:s26+$0xFFFFFF80]  }
0x3e: {  	v1 =	vld [tilespmem:s25+$0x40]  }
0x3f: {  	v5 =	vld [tilespmem:s25+$0x50]  }
0x40: {  	v6 =	vld [tilespmem:s25+$0xFFFFFFC0]  }
0x41: {  	v4 =	vld.idx.msk [tilespmem:v4+s3+$0x0], $0xffff  }
0x42: {  	v7 =	vld [tilespmem:s25+$0xFFFFFFD0]  }
0x43: {  	v0 =	vld.idx.msk [tilespmem:v0+s3+$0x0], $0xffff  }
0x44: {  	v2 =	vld.idx.msk [tilespmem:v2+s3+$0x0], $0xffff  }
0x45: {  	v3 =	vld.idx.msk [tilespmem:v3+s3+$0x0], $0xffff  }
0x46: {  	s28 =	sadd.s32 $0x100, s23;
	v1 =	vld.idx.msk [tilespmem:v1+s3+$0x0], $0xffff  }
0x47: {  	[tilespmem:s28+$0x0] =	vst v4;
	v5 =	vld.idx.msk [tilespmem:v5+s3+$0x0], $0xffff  }
0x48: {  	v4 =	vld.idx.msk [tilespmem:v6+s3+$0x0], $0xffff;
	[tilespmem:s28+$0x10] =	vst v0  }
0x49: {  	[tilespmem:s28+$0xFFFFFF90] =	vst v2  }
0x4a: {  	[tilespmem:s28+$0xFFFFFF80] =	vst v3  }
0x4b: {  	v0 =	vld.idx.msk [tilespmem:v7+s3+$0x0], $0xffff;
	[tilespmem:s23+$0x40] =	vst v1  }
0x4c: {  	v1 =	vld [tilespmem:s26+$0x20];
	[tilespmem:s23+$0x50] =	vst v5  }
0x4d: {  	[tilespmem:s23+$0xFFFFFFC0] =	vst v4;
	v4 =	vld [tilespmem:s26+$0xFFFFFFB0]  }
0x4e: {  	v5 =	vld [tilespmem:s25+$0x70]  }
0x4f: {  	v6 =	vld [tilespmem:s26+$0x30]  }
0x50: {  	v8 =	vld [tilespmem:s26+$0xFFFFFFA0];
	[tilespmem:s23+$0xFFFFFFD0] =	vst v0  }
0x51: {  	v9 =	vld [tilespmem:s25+$0xFFFFFFE0]  }
0x52: {  	v2 =	vld [tilespmem:s25+$0x60]  }
0x53: {  	v0 =	vld [tilespmem:s25+$0xFFFFFFF0]  }
0x54: {  	v7 =	vld.idx.msk [tilespmem:v1+s3+$0x0], $0xffff  }
0x55: {  	v4 =	vld.idx.msk [tilespmem:v4+s3+$0x0], $0xffff  }
0x56: {  	v3 =	vld.idx.msk [tilespmem:v5+s3+$0x0], $0xffff  }
0x57: {  	v5 =	vld.idx.msk [tilespmem:v6+s3+$0x0], $0xffff  }
0x58: {  	s30 =	simm.s32 $0x2;
	s31 =	sadd.s32 $0x100, s26;
	v6 =	vld.idx.msk [tilespmem:v8+s3+$0x0], $0xffff  }
0x59: {  	s29 =	smov.u32 s28;
	s25 =	sadd.s32 s5, s24;
	s24 =	sadd.s32 $0xA480, s22;
	v1 =	vld.idx.msk [tilespmem:v9+s3+$0x0], $0xffff  }
.LBB2_3:
0x5a: {  	v8 =	vld [tilespmem:s31+$0x0];
	[tilespmem:s28+$0x20] =	vst v7  }
0x5b: {  	v2 =	vld.idx.msk [tilespmem:v2+s3+$0x0], $0xffff;
	[tilespmem:s23+$0x70] =	vst v3  }
0x5c: {  	v3 =	vld [tilespmem:s31+$0x10];
	[tilespmem:s28+$0x30] =	vst v5  }
0x5d: {  	[tilespmem:s28+$0xFFFFFFA0] =	vst v6;
	v5 =	vld [tilespmem:s26+$0x40]  }
0x5e: {  	[tilespmem:s28+$0xFFFFFFB0] =	vst v4;
	v4 =	vld [tilespmem:s26+$0x50]  }
0x5f: {  	v6 =	vld [tilespmem:s31+$0xFFFFFF90]  }
0x60: {  	s30 =	sadd.s32 $0x2, s30;
	v7 =	vld [tilespmem:s31+$0xFFFFFF80]  }
0x61: {  	p2 =	slt.u32 s30, $0x7A;
	v9 =	vld [tilespmem:s26+$0xFFFFFFC0];
	[tilespmem:s23+$0x60] =	vst v2  }
0x62: {  	v2 =	vld [tilespmem:s26+$0xFFFFFFD0]  }
0x63: {  	v8 =	vld.idx.msk [tilespmem:v8+s3+$0x0], $0xffff  }
0x64: {  	v3 =	vld.idx.msk [tilespmem:v3+s3+$0x0], $0xffff  }
0x65: {  	v5 =	vld.idx.msk [tilespmem:v5+s3+$0x0], $0xffff  }
0x66: {  	v4 =	vld.idx.msk [tilespmem:v4+s3+$0x0], $0xffff  }
0x67: {  	v6 =	vld.idx.msk [tilespmem:v6+s3+$0x0], $0xffff  }
0x68: {  	s28 =	sadd.s32 $0x100, s28;
	v7 =	vld.idx.msk [tilespmem:v7+s3+$0x0], $0xffff  }
0x69: {  	[tilespmem:s28+$0x0] =	vst v8;
	v8 =	vld.idx.msk [tilespmem:v9+s3+$0x0], $0xffff  }
0x6a: {  	[tilespmem:s28+$0x10] =	vst v3;
	v2 =	vld.idx.msk [tilespmem:v2+s3+$0x0], $0xffff  }
0x6b: {  	[tilespmem:s29+$0x40] =	vst v5;
	v3 =	vld.idx.msk [tilespmem:v0+s3+$0x0], $0xffff  }
0x6c: {  	v5 =	vld [tilespmem:s31+$0x20];
	[tilespmem:s29+$0x50] =	vst v4  }
0x6d: {  	[tilespmem:s28+$0xFFFFFF90] =	vst v6;
	v4 =	vld [tilespmem:s26+$0x70]  }
0x6e: {  	[tilespmem:s28+$0xFFFFFF80] =	vst v7;
	v6 =	vld [tilespmem:s31+$0x30]  }
0x6f: {  	v9 =	vld [tilespmem:s31+$0xFFFFFFA0];
	[tilespmem:s29+$0xFFFFFFC0] =	vst v8  }
0x70: {  	v8 =	vld [tilespmem:s31+$0xFFFFFFB0];
	[tilespmem:s29+$0xFFFFFFD0] =	vst v2  }
0x71: {  	v10 =	vld [tilespmem:s26+$0xFFFFFFE0];
	[tilespmem:s23+$0xFFFFFFE0] =	vst v1  }
0x72: {  	v0 =	vld [tilespmem:s26+$0xFFFFFFF0];
	[tilespmem:s23+$0xFFFFFFF0] =	vst v3;
	s23 =	smov.u32 s29;
	s29 =	smov.u32 s28  }
0x73: {  	v2 =	vld [tilespmem:s26+$0x60];
	s26 =	smov.u32 s31  }
0x74: {  	v7 =	vld.idx.msk [tilespmem:v5+s3+$0x0], $0xffff  }
.Ltmp0:
0x75: {  	v3 =	vld.idx.msk [tilespmem:v4+s3+$0x0], $0xffff;
	(pc) =	sbr.rel @p2 .LBB2_3-.Ltmp0, $4  }
0x76: {  	v5 =	vld.idx.msk [tilespmem:v6+s3+$0x0], $0xffff  }
0x77: {  	v6 =	vld.idx.msk [tilespmem:v9+s3+$0x0], $0xffff  }
0x78: {  	v4 =	vld.idx.msk [tilespmem:v8+s3+$0x0], $0xffff  }
0x79: {  	s31 =	sadd.s32 $0x100, s31;
	v1 =	vld.idx.msk [tilespmem:v10+s3+$0x0], $0xffff  }
0x7a: {  	[tilespmem:s28+$0x20] =	vst v7  }
0x7b: {  	[tilespmem:s28+$0x30] =	vst v5  }
0x7c: {  	[tilespmem:s28+$0xFFFFFFA0] =	vst v6;
	v5 =	vld [tilespmem:s26+$0x40]  }
0x7d: {  	v59 =	vld [tilespmem:s26+$0x50];
	[tilespmem:s28+$0xFFFFFFB0] =	vst v4  }
0x7e: {  	v6 =	vld [tilespmem:s26+$0xFFFFFFC0]  }
0x7f: {  	v60 =	vld [tilespmem:s26+$0xFFFFFFD0];
	_ =	sdelay $0x4  }
0x80: {  	v5 =	vld.idx.msk [tilespmem:v5+s3+$0x0], $0xffff  }
0x81: {  	v4 =	vld.idx.msk [tilespmem:v59+s3+$0x0], $0xffff  }
0x82: {  	v6 =	vld.idx.msk [tilespmem:v6+s3+$0x0], $0xffff  }
0x83: {  	v7 =	vld.idx.msk [tilespmem:v60+s3+$0x0], $0xffff;
	_ =	sdelay $0x1  }
0x84: {  	[tilespmem:s29+$0x40] =	vst v5  }
0x85: {  	[tilespmem:s29+$0x50] =	vst v4  }
0x86: {  	v4 =	vld [tilespmem:s26+$0x70];
	[tilespmem:s29+$0xFFFFFFC0] =	vst v6  }
0x87: {  	v5 =	vld [tilespmem:s26+$0x60];
	[tilespmem:s29+$0xFFFFFFD0] =	vst v7  }
0x88: {  	v6 =	vld [tilespmem:s26+$0xFFFFFFE0]  }
0x89: {  	v7 =	vld [tilespmem:s26+$0xFFFFFFF0];
	_ =	sdelay $0x2  }
0x8a: {  	v2 =	vld.idx.msk [tilespmem:v2+s3+$0x0], $0xffff  }
0x8b: {  	v0 =	vld.idx.msk [tilespmem:v0+s3+$0x0], $0xffff  }
0x8c: {  	v4 =	vld.idx.msk [tilespmem:v4+s3+$0x0], $0xffff  }
0x8d: {  	[tilespmem:s23+$0x70] =	vst v3;
	v61 =	vld.idx.msk [tilespmem:v5+s3+$0x0], $0xffff  }
0x8e: {  	[tilespmem:s23+$0xFFFFFFE0] =	vst v1;
	v62 =	vld.idx.msk [tilespmem:v6+s3+$0x0], $0xffff  }
0x8f: {  	[tilespmem:s23+$0x60] =	vst v2;
	v63 =	vld.idx.msk [tilespmem:v7+s3+$0x0], $0xffff  }
0x90: {  	[tilespmem:s23+$0xFFFFFFF0] =	vst v0  }
0x91: {  	[tilespmem:s29+$0x70] =	vst v4  }
0x92: {  	[tilespmem:s29+$0x60] =	vst v61  }
0x93: {  	[tilespmem:s29+$0xFFFFFFE0] =	vst v62  }
0x94: {  	[tilespmem:s29+$0xFFFFFFF0] =	vst v63  }
0x95: {  	v0 =	vld [tilespmem:s21+$0x6580]  }
0x96: {  	v1 =	vld [tilespmem:s21+$0x6590];
	_ =	sdelay $0x6  }
0x97: {  	v0 =	vld.idx.msk [tilespmem:v0+s3+$0x0], $0xffff  }
0x98: {  	v1 =	vld.idx.msk [tilespmem:v1+s3+$0x0], $0xffff;
	_ =	sdelay $0x3  }
0x99: {  	[tilespmem:s22+$0xE280] =	vst v0  }
0x9a: {  	[tilespmem:s22+$0xE290] =	vst v1  }
0x9b: {  	v0 =	vld [tilespmem:s21+$0x65A0]  }
0x9c: {  	v1 =	vld [tilespmem:s21+$0x65B0];
	_ =	sdelay $0x6  }
0x9d: {  	v0 =	vld.idx.msk [tilespmem:v0+s3+$0x0], $0xffff  }
0x9e: {  	v1 =	vld.idx.msk [tilespmem:v1+s3+$0x0], $0xffff;
	_ =	sdelay $0x3  }
0x9f: {  	[tilespmem:s22+$0xE2A0] =	vst v0  }
0xa0: {  	[tilespmem:s22+$0xE2B0] =	vst v1  }
0xa1: {  	v0 =	vld [tilespmem:s21+$0x65C0]  }
0xa2: {  	v1 =	vld [tilespmem:s21+$0x65D0];
	_ =	sdelay $0x6  }
0xa3: {  	v0 =	vld.idx.msk [tilespmem:v0+s3+$0x0], $0xffff  }
0xa4: {  	v1 =	vld.idx.msk [tilespmem:v1+s3+$0x0], $0xffff;
	_ =	sdelay $0x3  }
0xa5: {  	[tilespmem:s22+$0xE2C0] =	vst v0  }
0xa6: {  	[tilespmem:s22+$0xE2D0] =	vst v1  }
0xa7: {  	v0 =	vld [tilespmem:s21+$0x65E0]  }
0xa8: {  	v1 =	vld [tilespmem:s21+$0x65F0];
	_ =	sdelay $0x6  }
0xa9: {  	v0 =	vld.idx.msk [tilespmem:v0+s3+$0x0], $0xffff  }
0xaa: {  	v1 =	vld.idx.msk [tilespmem:v1+s3+$0x0], $0xffff;
	_ =	sdelay $0x1  }
0xab: {  	p2 =	seq.s32 s19, s9  }
0xac: {  	p1 =	por p2, p1  }
0xad: {  	s20 =	sadd.s32 @p1 $0x3, s20;
	s21 =	simm.s32 $0x1;
	[tilespmem:s22+$0xE2E0] =	vst v0  }
0xae: {  	s23 =	simm.s32 @p1 $0x0;
	s21 =	simm.s32 @!p0 $0x0;
	[tilespmem:s22+$0xE2F0] =	vst v1;
	s22 =	sshll.u32 @p1 s25, $0xB  }
0xaf: {  	p0 =	seq.s32 s19, $0x0;
	_ =	strace $0x9000004B;
	s22 =	sand.u32 @p1 $0x1FFFF800, s22  }
0xb0: {  	s18 =	sadd.s32 s21, s18;
	_ =	strace @p1 $0x8000004C;
	s22 =	sadd.s32 @p1 s6, s22  }
0xb1: {  	[hbm4b:s22+s23] =	stream.linear.scatter @p1 [tilespmem:s24], [sflag:s20], $0x3E80, $0x200038;
	[tilespmem:$0x12180] =	vst v63  }
0xb2: {  	s20 =	simm.s32 $0x1;
	s22 =	simm.s32 $0x1;
	_ =	strace @p1 $0x9000004C  }
0xb3: {  	s20 =	simm.s32 @!p1 $0x0;
	p1 =	sne.s32 s19, $0x0;
	s19 =	sadd.s32 $0x1, s19  }
0xb4: {  	s21 =	sand.u32 @!p0 $0x1, s14;
	s22 =	simm.s32 @!p1 $0x0;
	p1 =	sne.s32 s19, s7  }
.Ltmp1:
0xb5: {  	s21 =	sadd.s32 @!p0 $0x3, s21;
	_ =	strace @!p0 $0x8000004D;
	(pc) =	sbr.rel @p1 .LBB2_2-.Ltmp1, $4  }
0xb6: {  	_ =	swait.ge @!p0 [sflag:s21], $0x3E80  }
0xb7: {  	[sflag:s21] =	ssyncset.done @!p0 $0x0  }
0xb8: {  	s16 =	sadd.s32 s20, s16;
	[sflag:s21] =	ssyncadd.s32 @!p0 $0xFFFFC180  }
0xb9: {  	s17 =	sadd.s32 s20, s17;
	s14 =	sadd.s32 s22, s14;
	_ =	strace @!p0 $0x9000004D  }
0xba: {  	s13 =	sadd.s32 $0x1, s13  }
0xbb: {  	s14 =	sand.u32 $0x1, s14;
	p0 =	sne.s32 s13, s10  }
.Ltmp2:
0xbc: {  	_ =	strace $0x8000004E;
	s14 =	sadd.s32 $0x3, s14;
	(pc) =	sbr.rel @p0 .LBB2_1-.Ltmp2, $4  }
0xbd: {  	_ =	swait.ge [sflag:s14], $0x3E80  }
0xbe: {  	[sflag:s14] =	ssyncset.done $0x0  }
0xbf: {  	[sflag:s14] =	ssyncadd.s32 $0xFFFFC180  }
0xc0: {  	_ =	strace $0x9000004E  }
0xc1: {  	_ =	sfence.sel $0x180000  }
0xc2: {  	[bflag:$0x0] =	sbarrier.arrive $0xFFFF  }
0xc3: {  	p0 =	sne.s32 s1, $0x0;
	_ =	strace $0x90000047  }
0xc4: {  	s0 =	sadd.s32 @!p0 $0x100000, s0;
	[bflag:$0x2] =	sbarrier.arrive $0xFFFF  }
0xc5: {  	[sflag:s0] =	ssyncadd.tile.s32 @!p0 $0x1;
	_ =	shalt  }
.Lfunc_end2:
_tile_overlayer_lowered:
.L_overlay_start_2:
0xc6: {  	(tag) =	ssettag $0x2  }
0xc7: {  	s0 =	rddreg [dreg:$0x0];
	s2 =	stileid.u32  }
0xc8: {  	s1 =	rddreg [dreg:$0x1];
	p0 =	sne.s32 s2, $0x0  }
0xc9: {  	s3 =	rddreg [dreg:$0x2];
	[bflag:$0x3] =	sbarrier.arrive $0xFFFF;
	s2 =	simm.s32 @!p0 $0x1C01  }
0xca: {  	[timem:s3], [sflag:s2] =	dma.local @!p0 [hbm:s0], s1  }
0xcb: {  	s0 =	simm.s32 @!p0 $0x1  }
0xcc: {  	_ =	swait.ge @!p0 [sflag:s0], s1  }
0xcd: {  	s1 =	ssub.s32 @!p0 $0x0, s1;
	[sflag:s0] =	ssyncset.done @!p0 $0x0  }
0xce: {  	[sflag:s0] =	ssyncadd.s32 @!p0 s1  }
0xcf: {  	[bflag:$0x3] =	sbarrier.arrive $0xFFFF  }
0xd0: {  	_ =	shalt  }

</sc_bundles>
